<compile_context>
chip_gen: v7x
topology: tpu7x:2x2x1
jax: 0.10.2.dev20260603
libtpu: 0.0.44.dev20260713+nightly
codegen_flags: <defaults>
</compile_context>

<pallas_src>
import functools

import jax
import jax.numpy as jnp
from jax import lax
from jax.experimental import pallas as pl
from jax.experimental.pallas import tpu as pltpu
from jax.experimental.pallas import tpu_sc as plsc

_NUM_CORES = 2
_NUM_SUBCORES = 16
_NUM_WORKERS = _NUM_CORES * _NUM_SUBCORES
_CHUNK_ROWS = 32
_NBUF = 3


def kernel(x, pos_table):
    batch, seq_len = x.shape
    d_model = pos_table.shape[1]
    pos = pos_table[:seq_len]
    rows_per_w = seq_len // _NUM_WORKERS
    n_chunks = rows_per_w // _CHUNK_ROWS
    mesh = plsc.VectorSubcoreMesh(
        core_axis_name="c", subcore_axis_name="s",
        num_cores=_NUM_CORES, num_subcores=_NUM_SUBCORES)

    @functools.partial(
        pl.kernel,
        out_type=jax.ShapeDtypeStruct((batch * seq_len, d_model), pos_table.dtype),
        mesh=mesh,
        scratch_types=[
            pltpu.VMEM((_NBUF, _CHUNK_ROWS, d_model), jnp.float32),
            pltpu.SemaphoreType.DMA((_NBUF,)),
            pltpu.SemaphoreType.DMA((_NBUF, 2)),
        ],
    )
    def copy_kernel(pos_hbm, out_hbm, bufs, in_sems, out_sems):
        wid = lax.axis_index("s") * _NUM_CORES + lax.axis_index("c")
        base = wid * rows_per_w

        def in_copy(c):
            slot = c % _NBUF
            return pltpu.make_async_copy(
                pos_hbm.at[pl.ds(base + c * _CHUNK_ROWS, _CHUNK_ROWS)],
                bufs.at[slot], in_sems.at[slot])

        def out_copy(c, b):
            slot = c % _NBUF
            return pltpu.make_async_copy(
                bufs.at[slot],
                out_hbm.at[pl.ds(b * seq_len + base + c * _CHUNK_ROWS, _CHUNK_ROWS)],
                out_sems.at[slot, b])

        for c in range(min(_NBUF, n_chunks)):
            in_copy(c).start()
        for c in range(n_chunks):
            in_copy(c).wait()
            for b in range(batch):
                out_copy(c, b).start()
            if c + _NBUF < n_chunks:
                for b in range(batch):
                    out_copy(c, b).wait()
                in_copy(c + _NBUF).start()
        for c in range(max(0, n_chunks - _NBUF), n_chunks):
            for b in range(batch):
                out_copy(c, b).wait()

    flat = copy_kernel(pos)
    return flat.reshape(batch, seq_len, d_model)

# --- scband reference (transcript-rebuilt; emitter-appended) ---
"""Pipeline reference for scband-positional-embedding-18605798326354 (READ-ONLY COPY).

The authoritative reference and input builder live on the scoring server;
editing this copy changes nothing except your own understanding.
"""

import jax, jax.numpy as jnp
import numpy as np

N_CTX = 8192
D_MODEL = 1024
INIT_RANGE = 0.02

def setup_inputs(seed: int = 0):
    key = jax.random.key(seed)
    k1, k2 = jax.random.split(key)
    x = jax.random.randint(k1, (2, 8192), 0, 50000)
    pos_table = jax.random.normal(k2, (N_CTX, D_MODEL), dtype=jnp.float32) * INIT_RANGE
    return {"x": x, "pos_table": pos_table}

def reference(x, pos_table):
    batch = x.shape[0]
    seq_len = x.shape[1]
    pos = pos_table[:seq_len, :]
    out = jnp.broadcast_to(pos[None, :, :], (batch, seq_len, pos.shape[1]))
    return out

if __name__ == "__main__":
    import jax
    _d = setup_inputs()
    print(jax.jit(kernel)(*tuple(_d.values())))

</pallas_src>

<mosaic_0001>
#map = affine_map<(d0, d1) -> (0, 0)>
module attributes {stable_mosaic.version = 14 : i64} {
  func.func @copy_kernel(%arg0: i32, %arg1: i32, %arg2: memref<8192x1024xf32, #tpu.memory_space<hbm>>, %arg3: memref<16384x1024xf32, #tpu.memory_space<hbm>>, %arg4: memref<3x32x1024xf32, #tpu.memory_space<vmem>>, %arg5: memref<3x!tpu.dma_semaphore, #tpu.memory_space<semaphore_mem>>, %arg6: memref<3x2x!tpu.dma_semaphore, #tpu.memory_space<semaphore_mem>>) attributes {dimension_semantics = [#tpu.dimension_semantics<core_parallel>, #tpu.dimension_semantics<subcore_parallel>], iteration_bounds = array<i64: 2, 16>, scalar_prefetch = 0 : i64, scratch_operands = 3 : i64, tpu.core_type = #tpu.core_type<sc_vector_subcore>, window_params = [{transform_indices = #map}, {transform_indices = #map}]} {
    %mul3A = arith.constant 2 : i32
    %mul3A_0 = arith.muli %arg1, %mul3A : i32
    %add3A = arith.addi %mul3A_0, %arg0 : i32
    %mul3A_1 = arith.constant 256 : i32
    %mul3A_2 = arith.muli %add3A, %mul3A_1 : i32
    %add3A_3 = arith.constant 0 : i32
    %add3A_4 = arith.addi %mul3A_2, %add3A_3 : i32
    %dma_start3A = arith.constant 0 : i32
    %dma_start3A_5 = arith.constant 0 : i32
    %dma_start3A_6 = arith.constant 0 : i32
    %dma_start3A_7 = arith.constant 0 : i32
    %dma_start3A_8 = tpu.memref_slice %arg4[%dma_start3A, %dma_start3A_6, %dma_start3A_7] : memref<3x32x1024xf32, #tpu.memory_space<vmem>> -> memref<1x32x1024xf32, #tpu.memory_space<vmem>>
    %dma_start3A_9 = tpu.memref_squeeze %dma_start3A_8 : memref<1x32x1024xf32, #tpu.memory_space<vmem>> -> memref<32x1024xf32, #tpu.memory_space<vmem>>
    %dma_start3A_10 = arith.constant 0 : i32
    %dma_start3A_11 = tpu.memref_slice %arg2[%add3A_4, %dma_start3A_10] : memref<8192x1024xf32, #tpu.memory_space<hbm>> -> memref<32x1024xf32, #tpu.memory_space<hbm>>
    %dma_start3A_12 = tpu.memref_slice %arg5[%dma_start3A_5] : memref<3x!tpu.dma_semaphore, #tpu.memory_space<semaphore_mem>> -> memref<1x!tpu.dma_semaphore, #tpu.memory_space<semaphore_mem>>
    %dma_start3A_13 = tpu.memref_squeeze %dma_start3A_12 : memref<1x!tpu.dma_semaphore, #tpu.memory_space<semaphore_mem>> -> memref<!tpu.dma_semaphore, #tpu.memory_space<semaphore_mem>>
    %dma_start3A_14 = arith.constant 0 : i32
    %dma_start3A_15 = arith.constant 0 : i32
    %dma_start3A_16 = tpu.memref_slice %arg4[%dma_start3A, %dma_start3A_14, %dma_start3A_15] : memref<3x32x1024xf32, #tpu.memory_space<vmem>> -> memref<1x32x1024xf32, #tpu.memory_space<vmem>>
    %dma_start3A_17 = tpu.memref_squeeze %dma_start3A_16 : memref<1x32x1024xf32, #tpu.memory_space<vmem>> -> memref<32x1024xf32, #tpu.memory_space<vmem>>
    %dma_start3A_18 = arith.constant 0 : i32
    %dma_start3A_19 = tpu.memref_slice %arg2[%add3A_4, %dma_start3A_18] : memref<8192x1024xf32, #tpu.memory_space<hbm>> -> memref<32x1024xf32, #tpu.memory_space<hbm>>
    tpu.enqueue_dma source(%dma_start3A_19 : memref<32x1024xf32, #tpu.memory_space<hbm>>) target(%dma_start3A_17 : memref<32x1024xf32, #tpu.memory_space<vmem>>) target_semaphore(%dma_start3A_13 : memref<!tpu.dma_semaphore, #tpu.memory_space<semaphore_mem>>)
    %add3A_20 = arith.constant 32 : i32
    %add3A_21 = arith.addi %mul3A_2, %add3A_20 : i32
    %dma_start3A_22 = arith.constant 1 : i32
    %dma_start3A_23 = arith.constant 1 : i32
    %dma_start3A_24 = arith.constant 0 : i32
    %dma_start3A_25 = arith.constant 0 : i32
    %dma_start3A_26 = tpu.memref_slice %arg4[%dma_start3A_22, %dma_start3A_24, %dma_start3A_25] : memref<3x32x1024xf32, #tpu.memory_space<vmem>> -> memref<1x32x1024xf32, #tpu.memory_space<vmem>>
    %dma_start3A_27 = tpu.memref_squeeze %dma_start3A_26 : memref<1x32x1024xf32, #tpu.memory_space<vmem>> -> memref<32x1024xf32, #tpu.memory_space<vmem>>
    %dma_start3A_28 = arith.constant 0 : i32
    %dma_start3A_29 = tpu.memref_slice %arg2[%add3A_21, %dma_start3A_28] : memref<8192x1024xf32, #tpu.memory_space<hbm>> -> memref<32x1024xf32, #tpu.memory_space<hbm>>
    %dma_start3A_30 = tpu.memref_slice %arg5[%dma_start3A_23] : memref<3x!tpu.dma_semaphore, #tpu.memory_space<semaphore_mem>> -> memref<1x!tpu.dma_semaphore, #tpu.memory_space<semaphore_mem>>
    %dma_start3A_31 = tpu.memref_squeeze %dma_start3A_30 : memref<1x!tpu.dma_semaphore, #tpu.memory_space<semaphore_mem>> -> memref<!tpu.dma_semaphore, #tpu.memory_space<semaphore_mem>>
    %dma_start3A_32 = arith.constant 0 : i32
    %dma_start3A_33 = arith.constant 0 : i32
    %dma_start3A_34 = tpu.memref_slice %arg4[%dma_start3A_22, %dma_start3A_32, %dma_start3A_33] : memref<3x32x1024xf32, #tpu.memory_space<vmem>> -> memref<1x32x1024xf32, #tpu.memory_space<vmem>>
    %dma_start3A_35 = tpu.memref_squeeze %dma_start3A_34 : memref<1x32x1024xf32, #tpu.memory_space<vmem>> -> memref<32x1024xf32, #tpu.memory_space<vmem>>
    %dma_start3A_36 = arith.constant 0 : i32
    %dma_start3A_37 = tpu.memref_slice %arg2[%add3A_21, %dma_start3A_36] : memref<8192x1024xf32, #tpu.memory_space<hbm>> -> memref<32x1024xf32, #tpu.memory_space<hbm>>
    tpu.enqueue_dma source(%dma_start3A_37 : memref<32x1024xf32, #tpu.memory_space<hbm>>) target(%dma_start3A_35 : memref<32x1024xf32, #tpu.memory_space<vmem>>) target_semaphore(%dma_start3A_31 : memref<!tpu.dma_semaphore, #tpu.memory_space<semaphore_mem>>)
    %add3A_38 = arith.constant 64 : i32
    %add3A_39 = arith.addi %mul3A_2, %add3A_38 : i32
    %dma_start3A_40 = arith.constant 2 : i32
    %dma_start3A_41 = arith.constant 2 : i32
    %dma_start3A_42 = arith.constant 0 : i32
    %dma_start3A_43 = arith.constant 0 : i32
    %dma_start3A_44 = tpu.memref_slice %arg4[%dma_start3A_40, %dma_start3A_42, %dma_start3A_43] : memref<3x32x1024xf32, #tpu.memory_space<vmem>> -> memref<1x32x1024xf32, #tpu.memory_space<vmem>>
    %dma_start3A_45 = tpu.memref_squeeze %dma_start3A_44 : memref<1x32x1024xf32, #tpu.memory_space<vmem>> -> memref<32x1024xf32, #tpu.memory_space<vmem>>
    %dma_start3A_46 = arith.constant 0 : i32
    %dma_start3A_47 = tpu.memref_slice %arg2[%add3A_39, %dma_start3A_46] : memref<8192x1024xf32, #tpu.memory_space<hbm>> -> memref<32x1024xf32, #tpu.memory_space<hbm>>
    %dma_start3A_48 = tpu.memref_slice %arg5[%dma_start3A_41] : memref<3x!tpu.dma_semaphore, #tpu.memory_space<semaphore_mem>> -> memref<1x!tpu.dma_semaphore, #tpu.memory_space<semaphore_mem>>
    %dma_start3A_49 = tpu.memref_squeeze %dma_start3A_48 : memref<1x!tpu.dma_semaphore, #tpu.memory_space<semaphore_mem>> -> memref<!tpu.dma_semaphore, #tpu.memory_space<semaphore_mem>>
    %dma_start3A_50 = arith.constant 0 : i32
    %dma_start3A_51 = arith.constant 0 : i32
    %dma_start3A_52 = tpu.memref_slice %arg4[%dma_start3A_40, %dma_start3A_50, %dma_start3A_51] : memref<3x32x1024xf32, #tpu.memory_space<vmem>> -> memref<1x32x1024xf32, #tpu.memory_space<vmem>>
    %dma_start3A_53 = tpu.memref_squeeze %dma_start3A_52 : memref<1x32x1024xf32, #tpu.memory_space<vmem>> -> memref<32x1024xf32, #tpu.memory_space<vmem>>
    %dma_start3A_54 = arith.constant 0 : i32
    %dma_start3A_55 = tpu.memref_slice %arg2[%add3A_39, %dma_start3A_54] : memref<8192x1024xf32, #tpu.memory_space<hbm>> -> memref<32x1024xf32, #tpu.memory_space<hbm>>
    tpu.enqueue_dma source(%dma_start3A_55 : memref<32x1024xf32, #tpu.memory_space<hbm>>) target(%dma_start3A_53 : memref<32x1024xf32, #tpu.memory_space<vmem>>) target_semaphore(%dma_start3A_49 : memref<!tpu.dma_semaphore, #tpu.memory_space<semaphore_mem>>)
    %add3A_56 = arith.constant 0 : i32
    %add3A_57 = arith.addi %mul3A_2, %add3A_56 : i32
    %dma_wait3A = arith.constant 0 : i32
    %dma_wait3A_58 = arith.constant 0 : i32
    %dma_wait3A_59 = arith.constant 0 : i32
    %dma_wait3A_60 = arith.constant 0 : i32
    %dma_wait3A_61 = tpu.memref_slice %arg4[%dma_wait3A, %dma_wait3A_59, %dma_wait3A_60] : memref<3x32x1024xf32, #tpu.memory_space<vmem>> -> memref<1x32x1024xf32, #tpu.memory_space<vmem>>
    %dma_wait3A_62 = tpu.memref_squeeze %dma_wait3A_61 : memref<1x32x1024xf32, #tpu.memory_space<vmem>> -> memref<32x1024xf32, #tpu.memory_space<vmem>>
    %dma_wait3A_63 = arith.constant 0 : i32
    %dma_wait3A_64 = tpu.memref_slice %arg2[%add3A_57, %dma_wait3A_63] : memref<8192x1024xf32, #tpu.memory_space<hbm>> -> memref<32x1024xf32, #tpu.memory_space<hbm>>
    %dma_wait3A_65 = tpu.memref_slice %arg5[%dma_wait3A_58] : memref<3x!tpu.dma_semaphore, #tpu.memory_space<semaphore_mem>> -> memref<1x!tpu.dma_semaphore, #tpu.memory_space<semaphore_mem>>
    %dma_wait3A_66 = tpu.memref_squeeze %dma_wait3A_65 : memref<1x!tpu.dma_semaphore, #tpu.memory_space<semaphore_mem>> -> memref<!tpu.dma_semaphore, #tpu.memory_space<semaphore_mem>>
    %dma_wait3A_67 = arith.constant 0 : i32
    %dma_wait3A_68 = arith.constant 0 : i32
    %dma_wait3A_69 = tpu.memref_slice %arg4[%dma_wait3A, %dma_wait3A_67, %dma_wait3A_68] : memref<3x32x1024xf32, #tpu.memory_space<vmem>> -> memref<1x32x1024xf32, #tpu.memory_space<vmem>>
    %dma_wait3A_70 = tpu.memref_squeeze %dma_wait3A_69 : memref<1x32x1024xf32, #tpu.memory_space<vmem>> -> memref<32x1024xf32, #tpu.memory_space<vmem>>
    %dma_wait3A_71 = arith.constant 0 : i32
    %dma_wait3A_72 = tpu.memref_slice %arg2[%add3A_57, %dma_wait3A_71] : memref<8192x1024xf32, #tpu.memory_space<hbm>> -> memref<32x1024xf32, #tpu.memory_space<hbm>>
    tpu.wait_dma2 semaphore(%dma_wait3A_66 : memref<!tpu.dma_semaphore, #tpu.memory_space<semaphore_mem>>) src(%dma_wait3A_72 : memref<32x1024xf32, #tpu.memory_space<hbm>>) dst(%dma_wait3A_70 : memref<32x1024xf32, #tpu.memory_space<vmem>>)
    %add3A_73 = arith.constant 0 : i32
    %add3A_74 = arith.addi %add3A_73, %mul3A_2 : i32
    %add3A_75 = arith.constant 0 : i32
    %add3A_76 = arith.addi %add3A_74, %add3A_75 : i32
    %dma_start3A_77 = arith.constant 0 : i32
    %dma_start3A_78 = arith.constant 0 : i32
    %dma_start3A_79 = arith.constant 0 : i32
    %dma_start3A_80 = arith.constant 0 : i32
    %dma_start3A_81 = arith.constant 0 : i32
    %dma_start3A_82 = tpu.memref_slice %arg4[%dma_start3A_77, %dma_start3A_80, %dma_start3A_81] : memref<3x32x1024xf32, #tpu.memory_space<vmem>> -> memref<1x32x1024xf32, #tpu.memory_space<vmem>>
    %dma_start3A_83 = tpu.memref_squeeze %dma_start3A_82 : memref<1x32x1024xf32, #tpu.memory_space<vmem>> -> memref<32x1024xf32, #tpu.memory_space<vmem>>
    %dma_start3A_84 = arith.constant 0 : i32
    %dma_start3A_85 = tpu.memref_slice %arg3[%add3A_76, %dma_start3A_84] : memref<16384x1024xf32, #tpu.memory_space<hbm>> -> memref<32x1024xf32, #tpu.memory_space<hbm>>
    %dma_start3A_86 = tpu.memref_slice %arg6[%dma_start3A_78, %dma_start3A_79] : memref<3x2x!tpu.dma_semaphore, #tpu.memory_space<semaphore_mem>> -> memref<1x1x!tpu.dma_semaphore, #tpu.memory_space<semaphore_mem>>
    %dma_start3A_87 = tpu.memref_squeeze %dma_start3A_86 : memref<1x1x!tpu.dma_semaphore, #tpu.memory_space<semaphore_mem>> -> memref<!tpu.dma_semaphore, #tpu.memory_space<semaphore_mem>>
    %dma_start3A_88 = arith.constant 0 : i32
    %dma_start3A_89 = tpu.memref_slice %arg3[%add3A_76, %dma_start3A_88] : memref<16384x1024xf32, #tpu.memory_space<hbm>> -> memref<32x1024xf32, #tpu.memory_space<hbm>>
    %dma_start3A_90 = arith.constant 0 : i32
    %dma_start3A_91 = arith.constant 0 : i32
    %dma_start3A_92 = tpu.memref_slice %arg4[%dma_start3A_77, %dma_start3A_90, %dma_start3A_91] : memref<3x32x1024xf32, #tpu.memory_space<vmem>> -> memref<1x32x1024xf32, #tpu.memory_space<vmem>>
    %dma_start3A_93 = tpu.memref_squeeze %dma_start3A_92 : memref<1x32x1024xf32, #tpu.memory_space<vmem>> -> memref<32x1024xf32, #tpu.memory_space<vmem>>
    tpu.enqueue_dma source(%dma_start3A_93 : memref<32x1024xf32, #tpu.memory_space<vmem>>) target(%dma_start3A_89 : memref<32x1024xf32, #tpu.memory_space<hbm>>) target_semaphore(%dma_start3A_87 : memref<!tpu.dma_semaphore, #tpu.memory_space<semaphore_mem>>)
    %add3A_94 = arith.constant 8192 : i32
    %add3A_95 = arith.addi %add3A_94, %mul3A_2 : i32
    %add3A_96 = arith.constant 0 : i32
    %add3A_97 = arith.addi %add3A_95, %add3A_96 : i32
    %dma_start3A_98 = arith.constant 0 : i32
    %dma_start3A_99 = arith.constant 0 : i32
    %dma_start3A_100 = arith.constant 1 : i32
    %dma_start3A_101 = arith.constant 0 : i32
    %dma_start3A_102 = arith.constant 0 : i32
    %dma_start3A_103 = tpu.memref_slice %arg4[%dma_start3A_98, %dma_start3A_101, %dma_start3A_102] : memref<3x32x1024xf32, #tpu.memory_space<vmem>> -> memref<1x32x1024xf32, #tpu.memory_space<vmem>>
    %dma_start3A_104 = tpu.memref_squeeze %dma_start3A_103 : memref<1x32x1024xf32, #tpu.memory_space<vmem>> -> memref<32x1024xf32, #tpu.memory_space<vmem>>
    %dma_start3A_105 = arith.constant 0 : i32
    %dma_start3A_106 = tpu.memref_slice %arg3[%add3A_97, %dma_start3A_105] : memref<16384x1024xf32, #tpu.memory_space<hbm>> -> memref<32x1024xf32, #tpu.memory_space<hbm>>
    %dma_start3A_107 = tpu.memref_slice %arg6[%dma_start3A_99, %dma_start3A_100] : memref<3x2x!tpu.dma_semaphore, #tpu.memory_space<semaphore_mem>> -> memref<1x1x!tpu.dma_semaphore, #tpu.memory_space<semaphore_mem>>
    %dma_start3A_108 = tpu.memref_squeeze %dma_start3A_107 : memref<1x1x!tpu.dma_semaphore, #tpu.memory_space<semaphore_mem>> -> memref<!tpu.dma_semaphore, #tpu.memory_space<semaphore_mem>>
    %dma_start3A_109 = arith.constant 0 : i32
    %dma_start3A_110 = tpu.memref_slice %arg3[%add3A_97, %dma_start3A_109] : memref<16384x1024xf32, #tpu.memory_space<hbm>> -> memref<32x1024xf32, #tpu.memory_space<hbm>>
    %dma_start3A_111 = arith.constant 0 : i32
    %dma_start3A_112 = arith.constant 0 : i32
    %dma_start3A_113 = tpu.memref_slice %arg4[%dma_start3A_98, %dma_start3A_111, %dma_start3A_112] : memref<3x32x1024xf32, #tpu.memory_space<vmem>> -> memref<1x32x1024xf32, #tpu.memory_space<vmem>>
    %dma_start3A_114 = tpu.memref_squeeze %dma_start3A_113 : memref<1x32x1024xf32, #tpu.memory_space<vmem>> -> memref<32x1024xf32, #tpu.memory_space<vmem>>
    tpu.enqueue_dma source(%dma_start3A_114 : memref<32x1024xf32, #tpu.memory_space<vmem>>) target(%dma_start3A_110 : memref<32x1024xf32, #tpu.memory_space<hbm>>) target_semaphore(%dma_start3A_108 : memref<!tpu.dma_semaphore, #tpu.memory_space<semaphore_mem>>)
    %add3A_115 = arith.constant 0 : i32
    %add3A_116 = arith.addi %add3A_115, %mul3A_2 : i32
    %add3A_117 = arith.constant 0 : i32
    %add3A_118 = arith.addi %add3A_116, %add3A_117 : i32
    %dma_wait3A_119 = arith.constant 0 : i32
    %dma_wait3A_120 = arith.constant 0 : i32
    %dma_wait3A_121 = arith.constant 0 : i32
    %dma_wait3A_122 = arith.constant 0 : i32
    %dma_wait3A_123 = arith.constant 0 : i32
    %dma_wait3A_124 = tpu.memref_slice %arg4[%dma_wait3A_119, %dma_wait3A_122, %dma_wait3A_123] : memref<3x32x1024xf32, #tpu.memory_space<vmem>> -> memref<1x32x1024xf32, #tpu.memory_space<vmem>>
    %dma_wait3A_125 = tpu.memref_squeeze %dma_wait3A_124 : memref<1x32x1024xf32, #tpu.memory_space<vmem>> -> memref<32x1024xf32, #tpu.memory_space<vmem>>
    %dma_wait3A_126 = arith.constant 0 : i32
    %dma_wait3A_127 = tpu.memref_slice %arg3[%add3A_118, %dma_wait3A_126] : memref<16384x1024xf32, #tpu.memory_space<hbm>> -> memref<32x1024xf32, #tpu.memory_space<hbm>>
    %dma_wait3A_128 = tpu.memref_slice %arg6[%dma_wait3A_120, %dma_wait3A_121] : memref<3x2x!tpu.dma_semaphore, #tpu.memory_space<semaphore_mem>> -> memref<1x1x!tpu.dma_semaphore, #tpu.memory_space<semaphore_mem>>
    %dma_wait3A_129 = tpu.memref_squeeze %dma_wait3A_128 : memref<1x1x!tpu.dma_semaphore, #tpu.memory_space<semaphore_mem>> -> memref<!tpu.dma_semaphore, #tpu.memory_space<semaphore_mem>>
    %dma_wait3A_130 = arith.constant 0 : i32
    %dma_wait3A_131 = tpu.memref_slice %arg3[%add3A_118, %dma_wait3A_130] : memref<16384x1024xf32, #tpu.memory_space<hbm>> -> memref<32x1024xf32, #tpu.memory_space<hbm>>
    %dma_wait3A_132 = arith.constant 0 : i32
    %dma_wait3A_133 = arith.constant 0 : i32
    %dma_wait3A_134 = tpu.memref_slice %arg4[%dma_wait3A_119, %dma_wait3A_132, %dma_wait3A_133] : memref<3x32x1024xf32, #tpu.memory_space<vmem>> -> memref<1x32x1024xf32, #tpu.memory_space<vmem>>
    %dma_wait3A_135 = tpu.memref_squeeze %dma_wait3A_134 : memref<1x32x1024xf32, #tpu.memory_space<vmem>> -> memref<32x1024xf32, #tpu.memory_space<vmem>>
    tpu.wait_dma2 semaphore(%dma_wait3A_129 : memref<!tpu.dma_semaphore, #tpu.memory_space<semaphore_mem>>) src(%dma_wait3A_135 : memref<32x1024xf32, #tpu.memory_space<vmem>>) dst(%dma_wait3A_131 : memref<32x1024xf32, #tpu.memory_space<hbm>>)
    %add3A_136 = arith.constant 8192 : i32
    %add3A_137 = arith.addi %add3A_136, %mul3A_2 : i32
    %add3A_138 = arith.constant 0 : i32
    %add3A_139 = arith.addi %add3A_137, %add3A_138 : i32
    %dma_wait3A_140 = arith.constant 0 : i32
    %dma_wait3A_141 = arith.constant 0 : i32
    %dma_wait3A_142 = arith.constant 1 : i32
    %dma_wait3A_143 = arith.constant 0 : i32
    %dma_wait3A_144 = arith.constant 0 : i32
    %dma_wait3A_145 = tpu.memref_slice %arg4[%dma_wait3A_140, %dma_wait3A_143, %dma_wait3A_144] : memref<3x32x1024xf32, #tpu.memory_space<vmem>> -> memref<1x32x1024xf32, #tpu.memory_space<vmem>>
    %dma_wait3A_146 = tpu.memref_squeeze %dma_wait3A_145 : memref<1x32x1024xf32, #tpu.memory_space<vmem>> -> memref<32x1024xf32, #tpu.memory_space<vmem>>
    %dma_wait3A_147 = arith.constant 0 : i32
    %dma_wait3A_148 = tpu.memref_slice %arg3[%add3A_139, %dma_wait3A_147] : memref<16384x1024xf32, #tpu.memory_space<hbm>> -> memref<32x1024xf32, #tpu.memory_space<hbm>>
    %dma_wait3A_149 = tpu.memref_slice %arg6[%dma_wait3A_141, %dma_wait3A_142] : memref<3x2x!tpu.dma_semaphore, #tpu.memory_space<semaphore_mem>> -> memref<1x1x!tpu.dma_semaphore, #tpu.memory_space<semaphore_mem>>
    %dma_wait3A_150 = tpu.memref_squeeze %dma_wait3A_149 : memref<1x1x!tpu.dma_semaphore, #tpu.memory_space<semaphore_mem>> -> memref<!tpu.dma_semaphore, #tpu.memory_space<semaphore_mem>>
    %dma_wait3A_151 = arith.constant 0 : i32
    %dma_wait3A_152 = tpu.memref_slice %arg3[%add3A_139, %dma_wait3A_151] : memref<16384x1024xf32, #tpu.memory_space<hbm>> -> memref<32x1024xf32, #tpu.memory_space<hbm>>
    %dma_wait3A_153 = arith.constant 0 : i32
    %dma_wait3A_154 = arith.constant 0 : i32
    %dma_wait3A_155 = tpu.memref_slice %arg4[%dma_wait3A_140, %dma_wait3A_153, %dma_wait3A_154] : memref<3x32x1024xf32, #tpu.memory_space<vmem>> -> memref<1x32x1024xf32, #tpu.memory_space<vmem>>
    %dma_wait3A_156 = tpu.memref_squeeze %dma_wait3A_155 : memref<1x32x1024xf32, #tpu.memory_space<vmem>> -> memref<32x1024xf32, #tpu.memory_space<vmem>>
    tpu.wait_dma2 semaphore(%dma_wait3A_150 : memref<!tpu.dma_semaphore, #tpu.memory_space<semaphore_mem>>) src(%dma_wait3A_156 : memref<32x1024xf32, #tpu.memory_space<vmem>>) dst(%dma_wait3A_152 : memref<32x1024xf32, #tpu.memory_space<hbm>>)
    %add3A_157 = arith.constant 96 : i32
    %add3A_158 = arith.addi %mul3A_2, %add3A_157 : i32
    %dma_start3A_159 = arith.constant 0 : i32
    %dma_start3A_160 = arith.constant 0 : i32
    %dma_start3A_161 = arith.constant 0 : i32
    %dma_start3A_162 = arith.constant 0 : i32
    %dma_start3A_163 = tpu.memref_slice %arg4[%dma_start3A_159, %dma_start3A_161, %dma_start3A_162] : memref<3x32x1024xf32, #tpu.memory_space<vmem>> -> memref<1x32x1024xf32, #tpu.memory_space<vmem>>
    %dma_start3A_164 = tpu.memref_squeeze %dma_start3A_163 : memref<1x32x1024xf32, #tpu.memory_space<vmem>> -> memref<32x1024xf32, #tpu.memory_space<vmem>>
    %dma_start3A_165 = arith.constant 0 : i32
    %dma_start3A_166 = tpu.memref_slice %arg2[%add3A_158, %dma_start3A_165] : memref<8192x1024xf32, #tpu.memory_space<hbm>> -> memref<32x1024xf32, #tpu.memory_space<hbm>>
    %dma_start3A_167 = tpu.memref_slice %arg5[%dma_start3A_160] : memref<3x!tpu.dma_semaphore, #tpu.memory_space<semaphore_mem>> -> memref<1x!tpu.dma_semaphore, #tpu.memory_space<semaphore_mem>>
    %dma_start3A_168 = tpu.memref_squeeze %dma_start3A_167 : memref<1x!tpu.dma_semaphore, #tpu.memory_space<semaphore_mem>> -> memref<!tpu.dma_semaphore, #tpu.memory_space<semaphore_mem>>
    %dma_start3A_169 = arith.constant 0 : i32
    %dma_start3A_170 = arith.constant 0 : i32
    %dma_start3A_171 = tpu.memref_slice %arg4[%dma_start3A_159, %dma_start3A_169, %dma_start3A_170] : memref<3x32x1024xf32, #tpu.memory_space<vmem>> -> memref<1x32x1024xf32, #tpu.memory_space<vmem>>
    %dma_start3A_172 = tpu.memref_squeeze %dma_start3A_171 : memref<1x32x1024xf32, #tpu.memory_space<vmem>> -> memref<32x1024xf32, #tpu.memory_space<vmem>>
    %dma_start3A_173 = arith.constant 0 : i32
    %dma_start3A_174 = tpu.memref_slice %arg2[%add3A_158, %dma_start3A_173] : memref<8192x1024xf32, #tpu.memory_space<hbm>> -> memref<32x1024xf32, #tpu.memory_space<hbm>>
    tpu.enqueue_dma source(%dma_start3A_174 : memref<32x1024xf32, #tpu.memory_space<hbm>>) target(%dma_start3A_172 : memref<32x1024xf32, #tpu.memory_space<vmem>>) target_semaphore(%dma_start3A_168 : memref<!tpu.dma_semaphore, #tpu.memory_space<semaphore_mem>>)
    %add3A_175 = arith.constant 32 : i32
    %add3A_176 = arith.addi %mul3A_2, %add3A_175 : i32
    %dma_wait3A_177 = arith.constant 1 : i32
    %dma_wait3A_178 = arith.constant 1 : i32
    %dma_wait3A_179 = arith.constant 0 : i32
    %dma_wait3A_180 = arith.constant 0 : i32
    %dma_wait3A_181 = tpu.memref_slice %arg4[%dma_wait3A_177, %dma_wait3A_179, %dma_wait3A_180] : memref<3x32x1024xf32, #tpu.memory_space<vmem>> -> memref<1x32x1024xf32, #tpu.memory_space<vmem>>
    %dma_wait3A_182 = tpu.memref_squeeze %dma_wait3A_181 : memref<1x32x1024xf32, #tpu.memory_space<vmem>> -> memref<32x1024xf32, #tpu.memory_space<vmem>>
    %dma_wait3A_183 = arith.constant 0 : i32
    %dma_wait3A_184 = tpu.memref_slice %arg2[%add3A_176, %dma_wait3A_183] : memref<8192x1024xf32, #tpu.memory_space<hbm>> -> memref<32x1024xf32, #tpu.memory_space<hbm>>
    %dma_wait3A_185 = tpu.memref_slice %arg5[%dma_wait3A_178] : memref<3x!tpu.dma_semaphore, #tpu.memory_space<semaphore_mem>> -> memref<1x!tpu.dma_semaphore, #tpu.memory_space<semaphore_mem>>
    %dma_wait3A_186 = tpu.memref_squeeze %dma_wait3A_185 : memref<1x!tpu.dma_semaphore, #tpu.memory_space<semaphore_mem>> -> memref<!tpu.dma_semaphore, #tpu.memory_space<semaphore_mem>>
    %dma_wait3A_187 = arith.constant 0 : i32
    %dma_wait3A_188 = arith.constant 0 : i32
    %dma_wait3A_189 = tpu.memref_slice %arg4[%dma_wait3A_177, %dma_wait3A_187, %dma_wait3A_188] : memref<3x32x1024xf32, #tpu.memory_space<vmem>> -> memref<1x32x1024xf32, #tpu.memory_space<vmem>>
    %dma_wait3A_190 = tpu.memref_squeeze %dma_wait3A_189 : memref<1x32x1024xf32, #tpu.memory_space<vmem>> -> memref<32x1024xf32, #tpu.memory_space<vmem>>
    %dma_wait3A_191 = arith.constant 0 : i32
    %dma_wait3A_192 = tpu.memref_slice %arg2[%add3A_176, %dma_wait3A_191] : memref<8192x1024xf32, #tpu.memory_space<hbm>> -> memref<32x1024xf32, #tpu.memory_space<hbm>>
    tpu.wait_dma2 semaphore(%dma_wait3A_186 : memref<!tpu.dma_semaphore, #tpu.memory_space<semaphore_mem>>) src(%dma_wait3A_192 : memref<32x1024xf32, #tpu.memory_space<hbm>>) dst(%dma_wait3A_190 : memref<32x1024xf32, #tpu.memory_space<vmem>>)
    %add3A_193 = arith.constant 0 : i32
    %add3A_194 = arith.addi %add3A_193, %mul3A_2 : i32
    %add3A_195 = arith.constant 32 : i32
    %add3A_196 = arith.addi %add3A_194, %add3A_195 : i32
    %dma_start3A_197 = arith.constant 1 : i32
    %dma_start3A_198 = arith.constant 1 : i32
    %dma_start3A_199 = arith.constant 0 : i32
    %dma_start3A_200 = arith.constant 0 : i32
    %dma_start3A_201 = arith.constant 0 : i32
    %dma_start3A_202 = tpu.memref_slice %arg4[%dma_start3A_197, %dma_start3A_200, %dma_start3A_201] : memref<3x32x1024xf32, #tpu.memory_space<vmem>> -> memref<1x32x1024xf32, #tpu.memory_space<vmem>>
    %dma_start3A_203 = tpu.memref_squeeze %dma_start3A_202 : memref<1x32x1024xf32, #tpu.memory_space<vmem>> -> memref<32x1024xf32, #tpu.memory_space<vmem>>
    %dma_start3A_204 = arith.constant 0 : i32
    %dma_start3A_205 = tpu.memref_slice %arg3[%add3A_196, %dma_start3A_204] : memref<16384x1024xf32, #tpu.memory_space<hbm>> -> memref<32x1024xf32, #tpu.memory_space<hbm>>
    %dma_start3A_206 = tpu.memref_slice %arg6[%dma_start3A_198, %dma_start3A_199] : memref<3x2x!tpu.dma_semaphore, #tpu.memory_space<semaphore_mem>> -> memref<1x1x!tpu.dma_semaphore, #tpu.memory_space<semaphore_mem>>
    %dma_start3A_207 = tpu.memref_squeeze %dma_start3A_206 : memref<1x1x!tpu.dma_semaphore, #tpu.memory_space<semaphore_mem>> -> memref<!tpu.dma_semaphore, #tpu.memory_space<semaphore_mem>>
    %dma_start3A_208 = arith.constant 0 : i32
    %dma_start3A_209 = tpu.memref_slice %arg3[%add3A_196, %dma_start3A_208] : memref<16384x1024xf32, #tpu.memory_space<hbm>> -> memref<32x1024xf32, #tpu.memory_space<hbm>>
    %dma_start3A_210 = arith.constant 0 : i32
    %dma_start3A_211 = arith.constant 0 : i32
    %dma_start3A_212 = tpu.memref_slice %arg4[%dma_start3A_197, %dma_start3A_210, %dma_start3A_211] : memref<3x32x1024xf32, #tpu.memory_space<vmem>> -> memref<1x32x1024xf32, #tpu.memory_space<vmem>>
    %dma_start3A_213 = tpu.memref_squeeze %dma_start3A_212 : memref<1x32x1024xf32, #tpu.memory_space<vmem>> -> memref<32x1024xf32, #tpu.memory_space<vmem>>
    tpu.enqueue_dma source(%dma_start3A_213 : memref<32x1024xf32, #tpu.memory_space<vmem>>) target(%dma_start3A_209 : memref<32x1024xf32, #tpu.memory_space<hbm>>) target_semaphore(%dma_start3A_207 : memref<!tpu.dma_semaphore, #tpu.memory_space<semaphore_mem>>)
    %add3A_214 = arith.constant 8192 : i32
    %add3A_215 = arith.addi %add3A_214, %mul3A_2 : i32
    %add3A_216 = arith.constant 32 : i32
    %add3A_217 = arith.addi %add3A_215, %add3A_216 : i32
    %dma_start3A_218 = arith.constant 1 : i32
    %dma_start3A_219 = arith.constant 1 : i32
    %dma_start3A_220 = arith.constant 1 : i32
    %dma_start3A_221 = arith.constant 0 : i32
    %dma_start3A_222 = arith.constant 0 : i32
    %dma_start3A_223 = tpu.memref_slice %arg4[%dma_start3A_218, %dma_start3A_221, %dma_start3A_222] : memref<3x32x1024xf32, #tpu.memory_space<vmem>> -> memref<1x32x1024xf32, #tpu.memory_space<vmem>>
    %dma_start3A_224 = tpu.memref_squeeze %dma_start3A_223 : memref<1x32x1024xf32, #tpu.memory_space<vmem>> -> memref<32x1024xf32, #tpu.memory_space<vmem>>
    %dma_start3A_225 = arith.constant 0 : i32
    %dma_start3A_226 = tpu.memref_slice %arg3[%add3A_217, %dma_start3A_225] : memref<16384x1024xf32, #tpu.memory_space<hbm>> -> memref<32x1024xf32, #tpu.memory_space<hbm>>
    %dma_start3A_227 = tpu.memref_slice %arg6[%dma_start3A_219, %dma_start3A_220] : memref<3x2x!tpu.dma_semaphore, #tpu.memory_space<semaphore_mem>> -> memref<1x1x!tpu.dma_semaphore, #tpu.memory_space<semaphore_mem>>
    %dma_start3A_228 = tpu.memref_squeeze %dma_start3A_227 : memref<1x1x!tpu.dma_semaphore, #tpu.memory_space<semaphore_mem>> -> memref<!tpu.dma_semaphore, #tpu.memory_space<semaphore_mem>>
    %dma_start3A_229 = arith.constant 0 : i32
    %dma_start3A_230 = tpu.memref_slice %arg3[%add3A_217, %dma_start3A_229] : memref<16384x1024xf32, #tpu.memory_space<hbm>> -> memref<32x1024xf32, #tpu.memory_space<hbm>>
    %dma_start3A_231 = arith.constant 0 : i32
    %dma_start3A_232 = arith.constant 0 : i32
    %dma_start3A_233 = tpu.memref_slice %arg4[%dma_start3A_218, %dma_start3A_231, %dma_start3A_232] : memref<3x32x1024xf32, #tpu.memory_space<vmem>> -> memref<1x32x1024xf32, #tpu.memory_space<vmem>>
    %dma_start3A_234 = tpu.memref_squeeze %dma_start3A_233 : memref<1x32x1024xf32, #tpu.memory_space<vmem>> -> memref<32x1024xf32, #tpu.memory_space<vmem>>
    tpu.enqueue_dma source(%dma_start3A_234 : memref<32x1024xf32, #tpu.memory_space<vmem>>) target(%dma_start3A_230 : memref<32x1024xf32, #tpu.memory_space<hbm>>) target_semaphore(%dma_start3A_228 : memref<!tpu.dma_semaphore, #tpu.memory_space<semaphore_mem>>)
    %add3A_235 = arith.constant 0 : i32
    %add3A_236 = arith.addi %add3A_235, %mul3A_2 : i32
    %add3A_237 = arith.constant 32 : i32
    %add3A_238 = arith.addi %add3A_236, %add3A_237 : i32
    %dma_wait3A_239 = arith.constant 1 : i32
    %dma_wait3A_240 = arith.constant 1 : i32
    %dma_wait3A_241 = arith.constant 0 : i32
    %dma_wait3A_242 = arith.constant 0 : i32
    %dma_wait3A_243 = arith.constant 0 : i32
    %dma_wait3A_244 = tpu.memref_slice %arg4[%dma_wait3A_239, %dma_wait3A_242, %dma_wait3A_243] : memref<3x32x1024xf32, #tpu.memory_space<vmem>> -> memref<1x32x1024xf32, #tpu.memory_space<vmem>>
    %dma_wait3A_245 = tpu.memref_squeeze %dma_wait3A_244 : memref<1x32x1024xf32, #tpu.memory_space<vmem>> -> memref<32x1024xf32, #tpu.memory_space<vmem>>
    %dma_wait3A_246 = arith.constant 0 : i32
    %dma_wait3A_247 = tpu.memref_slice %arg3[%add3A_238, %dma_wait3A_246] : memref<16384x1024xf32, #tpu.memory_space<hbm>> -> memref<32x1024xf32, #tpu.memory_space<hbm>>
    %dma_wait3A_248 = tpu.memref_slice %arg6[%dma_wait3A_240, %dma_wait3A_241] : memref<3x2x!tpu.dma_semaphore, #tpu.memory_space<semaphore_mem>> -> memref<1x1x!tpu.dma_semaphore, #tpu.memory_space<semaphore_mem>>
    %dma_wait3A_249 = tpu.memref_squeeze %dma_wait3A_248 : memref<1x1x!tpu.dma_semaphore, #tpu.memory_space<semaphore_mem>> -> memref<!tpu.dma_semaphore, #tpu.memory_space<semaphore_mem>>
    %dma_wait3A_250 = arith.constant 0 : i32
    %dma_wait3A_251 = tpu.memref_slice %arg3[%add3A_238, %dma_wait3A_250] : memref<16384x1024xf32, #tpu.memory_space<hbm>> -> memref<32x1024xf32, #tpu.memory_space<hbm>>
    %dma_wait3A_252 = arith.constant 0 : i32
    %dma_wait3A_253 = arith.constant 0 : i32
    %dma_wait3A_254 = tpu.memref_slice %arg4[%dma_wait3A_239, %dma_wait3A_252, %dma_wait3A_253] : memref<3x32x1024xf32, #tpu.memory_space<vmem>> -> memref<1x32x1024xf32, #tpu.memory_space<vmem>>
    %dma_wait3A_255 = tpu.memref_squeeze %dma_wait3A_254 : memref<1x32x1024xf32, #tpu.memory_space<vmem>> -> memref<32x1024xf32, #tpu.memory_space<vmem>>
    tpu.wait_dma2 semaphore(%dma_wait3A_249 : memref<!tpu.dma_semaphore, #tpu.memory_space<semaphore_mem>>) src(%dma_wait3A_255 : memref<32x1024xf32, #tpu.memory_space<vmem>>) dst(%dma_wait3A_251 : memref<32x1024xf32, #tpu.memory_space<hbm>>)
    %add3A_256 = arith.constant 8192 : i32
    %add3A_257 = arith.addi %add3A_256, %mul3A_2 : i32
    %add3A_258 = arith.constant 32 : i32
    %add3A_259 = arith.addi %add3A_257, %add3A_258 : i32
    %dma_wait3A_260 = arith.constant 1 : i32
    %dma_wait3A_261 = arith.constant 1 : i32
    %dma_wait3A_262 = arith.constant 1 : i32
    %dma_wait3A_263 = arith.constant 0 : i32
    %dma_wait3A_264 = arith.constant 0 : i32
    %dma_wait3A_265 = tpu.memref_slice %arg4[%dma_wait3A_260, %dma_wait3A_263, %dma_wait3A_264] : memref<3x32x1024xf32, #tpu.memory_space<vmem>> -> memref<1x32x1024xf32, #tpu.memory_space<vmem>>
    %dma_wait3A_266 = tpu.memref_squeeze %dma_wait3A_265 : memref<1x32x1024xf32, #tpu.memory_space<vmem>> -> memref<32x1024xf32, #tpu.memory_space<vmem>>
    %dma_wait3A_267 = arith.constant 0 : i32
    %dma_wait3A_268 = tpu.memref_slice %arg3[%add3A_259, %dma_wait3A_267] : memref<16384x1024xf32, #tpu.memory_space<hbm>> -> memref<32x1024xf32, #tpu.memory_space<hbm>>
    %dma_wait3A_269 = tpu.memref_slice %arg6[%dma_wait3A_261, %dma_wait3A_262] : memref<3x2x!tpu.dma_semaphore, #tpu.memory_space<semaphore_mem>> -> memref<1x1x!tpu.dma_semaphore, #tpu.memory_space<semaphore_mem>>
    %dma_wait3A_270 = tpu.memref_squeeze %dma_wait3A_269 : memref<1x1x!tpu.dma_semaphore, #tpu.memory_space<semaphore_mem>> -> memref<!tpu.dma_semaphore, #tpu.memory_space<semaphore_mem>>
    %dma_wait3A_271 = arith.constant 0 : i32
    %dma_wait3A_272 = tpu.memref_slice %arg3[%add3A_259, %dma_wait3A_271] : memref<16384x1024xf32, #tpu.memory_space<hbm>> -> memref<32x1024xf32, #tpu.memory_space<hbm>>
    %dma_wait3A_273 = arith.constant 0 : i32
    %dma_wait3A_274 = arith.constant 0 : i32
    %dma_wait3A_275 = tpu.memref_slice %arg4[%dma_wait3A_260, %dma_wait3A_273, %dma_wait3A_274] : memref<3x32x1024xf32, #tpu.memory_space<vmem>> -> memref<1x32x1024xf32, #tpu.memory_space<vmem>>
    %dma_wait3A_276 = tpu.memref_squeeze %dma_wait3A_275 : memref<1x32x1024xf32, #tpu.memory_space<vmem>> -> memref<32x1024xf32, #tpu.memory_space<vmem>>
    tpu.wait_dma2 semaphore(%dma_wait3A_270 : memref<!tpu.dma_semaphore, #tpu.memory_space<semaphore_mem>>) src(%dma_wait3A_276 : memref<32x1024xf32, #tpu.memory_space<vmem>>) dst(%dma_wait3A_272 : memref<32x1024xf32, #tpu.memory_space<hbm>>)
    %add3A_277 = arith.constant 128 : i32
    %add3A_278 = arith.addi %mul3A_2, %add3A_277 : i32
    %dma_start3A_279 = arith.constant 1 : i32
    %dma_start3A_280 = arith.constant 1 : i32
    %dma_start3A_281 = arith.constant 0 : i32
    %dma_start3A_282 = arith.constant 0 : i32
    %dma_start3A_283 = tpu.memref_slice %arg4[%dma_start3A_279, %dma_start3A_281, %dma_start3A_282] : memref<3x32x1024xf32, #tpu.memory_space<vmem>> -> memref<1x32x1024xf32, #tpu.memory_space<vmem>>
    %dma_start3A_284 = tpu.memref_squeeze %dma_start3A_283 : memref<1x32x1024xf32, #tpu.memory_space<vmem>> -> memref<32x1024xf32, #tpu.memory_space<vmem>>
    %dma_start3A_285 = arith.constant 0 : i32
    %dma_start3A_286 = tpu.memref_slice %arg2[%add3A_278, %dma_start3A_285] : memref<8192x1024xf32, #tpu.memory_space<hbm>> -> memref<32x1024xf32, #tpu.memory_space<hbm>>
    %dma_start3A_287 = tpu.memref_slice %arg5[%dma_start3A_280] : memref<3x!tpu.dma_semaphore, #tpu.memory_space<semaphore_mem>> -> memref<1x!tpu.dma_semaphore, #tpu.memory_space<semaphore_mem>>
    %dma_start3A_288 = tpu.memref_squeeze %dma_start3A_287 : memref<1x!tpu.dma_semaphore, #tpu.memory_space<semaphore_mem>> -> memref<!tpu.dma_semaphore, #tpu.memory_space<semaphore_mem>>
    %dma_start3A_289 = arith.constant 0 : i32
    %dma_start3A_290 = arith.constant 0 : i32
    %dma_start3A_291 = tpu.memref_slice %arg4[%dma_start3A_279, %dma_start3A_289, %dma_start3A_290] : memref<3x32x1024xf32, #tpu.memory_space<vmem>> -> memref<1x32x1024xf32, #tpu.memory_space<vmem>>
    %dma_start3A_292 = tpu.memref_squeeze %dma_start3A_291 : memref<1x32x1024xf32, #tpu.memory_space<vmem>> -> memref<32x1024xf32, #tpu.memory_space<vmem>>
    %dma_start3A_293 = arith.constant 0 : i32
    %dma_start3A_294 = tpu.memref_slice %arg2[%add3A_278, %dma_start3A_293] : memref<8192x1024xf32, #tpu.memory_space<hbm>> -> memref<32x1024xf32, #tpu.memory_space<hbm>>
    tpu.enqueue_dma source(%dma_start3A_294 : memref<32x1024xf32, #tpu.memory_space<hbm>>) target(%dma_start3A_292 : memref<32x1024xf32, #tpu.memory_space<vmem>>) target_semaphore(%dma_start3A_288 : memref<!tpu.dma_semaphore, #tpu.memory_space<semaphore_mem>>)
    %add3A_295 = arith.constant 64 : i32
    %add3A_296 = arith.addi %mul3A_2, %add3A_295 : i32
    %dma_wait3A_297 = arith.constant 2 : i32
    %dma_wait3A_298 = arith.constant 2 : i32
    %dma_wait3A_299 = arith.constant 0 : i32
    %dma_wait3A_300 = arith.constant 0 : i32
    %dma_wait3A_301 = tpu.memref_slice %arg4[%dma_wait3A_297, %dma_wait3A_299, %dma_wait3A_300] : memref<3x32x1024xf32, #tpu.memory_space<vmem>> -> memref<1x32x1024xf32, #tpu.memory_space<vmem>>
    %dma_wait3A_302 = tpu.memref_squeeze %dma_wait3A_301 : memref<1x32x1024xf32, #tpu.memory_space<vmem>> -> memref<32x1024xf32, #tpu.memory_space<vmem>>
    %dma_wait3A_303 = arith.constant 0 : i32
    %dma_wait3A_304 = tpu.memref_slice %arg2[%add3A_296, %dma_wait3A_303] : memref<8192x1024xf32, #tpu.memory_space<hbm>> -> memref<32x1024xf32, #tpu.memory_space<hbm>>
    %dma_wait3A_305 = tpu.memref_slice %arg5[%dma_wait3A_298] : memref<3x!tpu.dma_semaphore, #tpu.memory_space<semaphore_mem>> -> memref<1x!tpu.dma_semaphore, #tpu.memory_space<semaphore_mem>>
    %dma_wait3A_306 = tpu.memref_squeeze %dma_wait3A_305 : memref<1x!tpu.dma_semaphore, #tpu.memory_space<semaphore_mem>> -> memref<!tpu.dma_semaphore, #tpu.memory_space<semaphore_mem>>
    %dma_wait3A_307 = arith.constant 0 : i32
    %dma_wait3A_308 = arith.constant 0 : i32
    %dma_wait3A_309 = tpu.memref_slice %arg4[%dma_wait3A_297, %dma_wait3A_307, %dma_wait3A_308] : memref<3x32x1024xf32, #tpu.memory_space<vmem>> -> memref<1x32x1024xf32, #tpu.memory_space<vmem>>
    %dma_wait3A_310 = tpu.memref_squeeze %dma_wait3A_309 : memref<1x32x1024xf32, #tpu.memory_space<vmem>> -> memref<32x1024xf32, #tpu.memory_space<vmem>>
    %dma_wait3A_311 = arith.constant 0 : i32
    %dma_wait3A_312 = tpu.memref_slice %arg2[%add3A_296, %dma_wait3A_311] : memref<8192x1024xf32, #tpu.memory_space<hbm>> -> memref<32x1024xf32, #tpu.memory_space<hbm>>
    tpu.wait_dma2 semaphore(%dma_wait3A_306 : memref<!tpu.dma_semaphore, #tpu.memory_space<semaphore_mem>>) src(%dma_wait3A_312 : memref<32x1024xf32, #tpu.memory_space<hbm>>) dst(%dma_wait3A_310 : memref<32x1024xf32, #tpu.memory_space<vmem>>)
    %add3A_313 = arith.constant 0 : i32
    %add3A_314 = arith.addi %add3A_313, %mul3A_2 : i32
    %add3A_315 = arith.constant 64 : i32
    %add3A_316 = arith.addi %add3A_314, %add3A_315 : i32
    %dma_start3A_317 = arith.constant 2 : i32
    %dma_start3A_318 = arith.constant 2 : i32
    %dma_start3A_319 = arith.constant 0 : i32
    %dma_start3A_320 = arith.constant 0 : i32
    %dma_start3A_321 = arith.constant 0 : i32
    %dma_start3A_322 = tpu.memref_slice %arg4[%dma_start3A_317, %dma_start3A_320, %dma_start3A_321] : memref<3x32x1024xf32, #tpu.memory_space<vmem>> -> memref<1x32x1024xf32, #tpu.memory_space<vmem>>
    %dma_start3A_323 = tpu.memref_squeeze %dma_start3A_322 : memref<1x32x1024xf32, #tpu.memory_space<vmem>> -> memref<32x1024xf32, #tpu.memory_space<vmem>>
    %dma_start3A_324 = arith.constant 0 : i32
    %dma_start3A_325 = tpu.memref_slice %arg3[%add3A_316, %dma_start3A_324] : memref<16384x1024xf32, #tpu.memory_space<hbm>> -> memref<32x1024xf32, #tpu.memory_space<hbm>>
    %dma_start3A_326 = tpu.memref_slice %arg6[%dma_start3A_318, %dma_start3A_319] : memref<3x2x!tpu.dma_semaphore, #tpu.memory_space<semaphore_mem>> -> memref<1x1x!tpu.dma_semaphore, #tpu.memory_space<semaphore_mem>>
    %dma_start3A_327 = tpu.memref_squeeze %dma_start3A_326 : memref<1x1x!tpu.dma_semaphore, #tpu.memory_space<semaphore_mem>> -> memref<!tpu.dma_semaphore, #tpu.memory_space<semaphore_mem>>
    %dma_start3A_328 = arith.constant 0 : i32
    %dma_start3A_329 = tpu.memref_slice %arg3[%add3A_316, %dma_start3A_328] : memref<16384x1024xf32, #tpu.memory_space<hbm>> -> memref<32x1024xf32, #tpu.memory_space<hbm>>
    %dma_start3A_330 = arith.constant 0 : i32
    %dma_start3A_331 = arith.constant 0 : i32
    %dma_start3A_332 = tpu.memref_slice %arg4[%dma_start3A_317, %dma_start3A_330, %dma_start3A_331] : memref<3x32x1024xf32, #tpu.memory_space<vmem>> -> memref<1x32x1024xf32, #tpu.memory_space<vmem>>
    %dma_start3A_333 = tpu.memref_squeeze %dma_start3A_332 : memref<1x32x1024xf32, #tpu.memory_space<vmem>> -> memref<32x1024xf32, #tpu.memory_space<vmem>>
    tpu.enqueue_dma source(%dma_start3A_333 : memref<32x1024xf32, #tpu.memory_space<vmem>>) target(%dma_start3A_329 : memref<32x1024xf32, #tpu.memory_space<hbm>>) target_semaphore(%dma_start3A_327 : memref<!tpu.dma_semaphore, #tpu.memory_space<semaphore_mem>>)
    %add3A_334 = arith.constant 8192 : i32
    %add3A_335 = arith.addi %add3A_334, %mul3A_2 : i32
    %add3A_336 = arith.constant 64 : i32
    %add3A_337 = arith.addi %add3A_335, %add3A_336 : i32
    %dma_start3A_338 = arith.constant 2 : i32
    %dma_start3A_339 = arith.constant 2 : i32
    %dma_start3A_340 = arith.constant 1 : i32
    %dma_start3A_341 = arith.constant 0 : i32
    %dma_start3A_342 = arith.constant 0 : i32
    %dma_start3A_343 = tpu.memref_slice %arg4[%dma_start3A_338, %dma_start3A_341, %dma_start3A_342] : memref<3x32x1024xf32, #tpu.memory_space<vmem>> -> memref<1x32x1024xf32, #tpu.memory_space<vmem>>
    %dma_start3A_344 = tpu.memref_squeeze %dma_start3A_343 : memref<1x32x1024xf32, #tpu.memory_space<vmem>> -> memref<32x1024xf32, #tpu.memory_space<vmem>>
    %dma_start3A_345 = arith.constant 0 : i32
    %dma_start3A_346 = tpu.memref_slice %arg3[%add3A_337, %dma_start3A_345] : memref<16384x1024xf32, #tpu.memory_space<hbm>> -> memref<32x1024xf32, #tpu.memory_space<hbm>>
    %dma_start3A_347 = tpu.memref_slice %arg6[%dma_start3A_339, %dma_start3A_340] : memref<3x2x!tpu.dma_semaphore, #tpu.memory_space<semaphore_mem>> -> memref<1x1x!tpu.dma_semaphore, #tpu.memory_space<semaphore_mem>>
    %dma_start3A_348 = tpu.memref_squeeze %dma_start3A_347 : memref<1x1x!tpu.dma_semaphore, #tpu.memory_space<semaphore_mem>> -> memref<!tpu.dma_semaphore, #tpu.memory_space<semaphore_mem>>
    %dma_start3A_349 = arith.constant 0 : i32
    %dma_start3A_350 = tpu.memref_slice %arg3[%add3A_337, %dma_start3A_349] : memref<16384x1024xf32, #tpu.memory_space<hbm>> -> memref<32x1024xf32, #tpu.memory_space<hbm>>
    %dma_start3A_351 = arith.constant 0 : i32
    %dma_start3A_352 = arith.constant 0 : i32
    %dma_start3A_353 = tpu.memref_slice %arg4[%dma_start3A_338, %dma_start3A_351, %dma_start3A_352] : memref<3x32x1024xf32, #tpu.memory_space<vmem>> -> memref<1x32x1024xf32, #tpu.memory_space<vmem>>
    %dma_start3A_354 = tpu.memref_squeeze %dma_start3A_353 : memref<1x32x1024xf32, #tpu.memory_space<vmem>> -> memref<32x1024xf32, #tpu.memory_space<vmem>>
    tpu.enqueue_dma source(%dma_start3A_354 : memref<32x1024xf32, #tpu.memory_space<vmem>>) target(%dma_start3A_350 : memref<32x1024xf32, #tpu.memory_space<hbm>>) target_semaphore(%dma_start3A_348 : memref<!tpu.dma_semaphore, #tpu.memory_space<semaphore_mem>>)
    %add3A_355 = arith.constant 0 : i32
    %add3A_356 = arith.addi %add3A_355, %mul3A_2 : i32
    %add3A_357 = arith.constant 64 : i32
    %add3A_358 = arith.addi %add3A_356, %add3A_357 : i32
    %dma_wait3A_359 = arith.constant 2 : i32
    %dma_wait3A_360 = arith.constant 2 : i32
    %dma_wait3A_361 = arith.constant 0 : i32
    %dma_wait3A_362 = arith.constant 0 : i32
    %dma_wait3A_363 = arith.constant 0 : i32
    %dma_wait3A_364 = tpu.memref_slice %arg4[%dma_wait3A_359, %dma_wait3A_362, %dma_wait3A_363] : memref<3x32x1024xf32, #tpu.memory_space<vmem>> -> memref<1x32x1024xf32, #tpu.memory_space<vmem>>
    %dma_wait3A_365 = tpu.memref_squeeze %dma_wait3A_364 : memref<1x32x1024xf32, #tpu.memory_space<vmem>> -> memref<32x1024xf32, #tpu.memory_space<vmem>>
    %dma_wait3A_366 = arith.constant 0 : i32
    %dma_wait3A_367 = tpu.memref_slice %arg3[%add3A_358, %dma_wait3A_366] : memref<16384x1024xf32, #tpu.memory_space<hbm>> -> memref<32x1024xf32, #tpu.memory_space<hbm>>
    %dma_wait3A_368 = tpu.memref_slice %arg6[%dma_wait3A_360, %dma_wait3A_361] : memref<3x2x!tpu.dma_semaphore, #tpu.memory_space<semaphore_mem>> -> memref<1x1x!tpu.dma_semaphore, #tpu.memory_space<semaphore_mem>>
    %dma_wait3A_369 = tpu.memref_squeeze %dma_wait3A_368 : memref<1x1x!tpu.dma_semaphore, #tpu.memory_space<semaphore_mem>> -> memref<!tpu.dma_semaphore, #tpu.memory_space<semaphore_mem>>
    %dma_wait3A_370 = arith.constant 0 : i32
    %dma_wait3A_371 = tpu.memref_slice %arg3[%add3A_358, %dma_wait3A_370] : memref<16384x1024xf32, #tpu.memory_space<hbm>> -> memref<32x1024xf32, #tpu.memory_space<hbm>>
    %dma_wait3A_372 = arith.constant 0 : i32
    %dma_wait3A_373 = arith.constant 0 : i32
    %dma_wait3A_374 = tpu.memref_slice %arg4[%dma_wait3A_359, %dma_wait3A_372, %dma_wait3A_373] : memref<3x32x1024xf32, #tpu.memory_space<vmem>> -> memref<1x32x1024xf32, #tpu.memory_space<vmem>>
    %dma_wait3A_375 = tpu.memref_squeeze %dma_wait3A_374 : memref<1x32x1024xf32, #tpu.memory_space<vmem>> -> memref<32x1024xf32, #tpu.memory_space<vmem>>
    tpu.wait_dma2 semaphore(%dma_wait3A_369 : memref<!tpu.dma_semaphore, #tpu.memory_space<semaphore_mem>>) src(%dma_wait3A_375 : memref<32x1024xf32, #tpu.memory_space<vmem>>) dst(%dma_wait3A_371 : memref<32x1024xf32, #tpu.memory_space<hbm>>)
    %add3A_376 = arith.constant 8192 : i32
    %add3A_377 = arith.addi %add3A_376, %mul3A_2 : i32
    %add3A_378 = arith.constant 64 : i32
    %add3A_379 = arith.addi %add3A_377, %add3A_378 : i32
    %dma_wait3A_380 = arith.constant 2 : i32
    %dma_wait3A_381 = arith.constant 2 : i32
    %dma_wait3A_382 = arith.constant 1 : i32
    %dma_wait3A_383 = arith.constant 0 : i32
    %dma_wait3A_384 = arith.constant 0 : i32
    %dma_wait3A_385 = tpu.memref_slice %arg4[%dma_wait3A_380, %dma_wait3A_383, %dma_wait3A_384] : memref<3x32x1024xf32, #tpu.memory_space<vmem>> -> memref<1x32x1024xf32, #tpu.memory_space<vmem>>
    %dma_wait3A_386 = tpu.memref_squeeze %dma_wait3A_385 : memref<1x32x1024xf32, #tpu.memory_space<vmem>> -> memref<32x1024xf32, #tpu.memory_space<vmem>>
    %dma_wait3A_387 = arith.constant 0 : i32
    %dma_wait3A_388 = tpu.memref_slice %arg3[%add3A_379, %dma_wait3A_387] : memref<16384x1024xf32, #tpu.memory_space<hbm>> -> memref<32x1024xf32, #tpu.memory_space<hbm>>
    %dma_wait3A_389 = tpu.memref_slice %arg6[%dma_wait3A_381, %dma_wait3A_382] : memref<3x2x!tpu.dma_semaphore, #tpu.memory_space<semaphore_mem>> -> memref<1x1x!tpu.dma_semaphore, #tpu.memory_space<semaphore_mem>>
    %dma_wait3A_390 = tpu.memref_squeeze %dma_wait3A_389 : memref<1x1x!tpu.dma_semaphore, #tpu.memory_space<semaphore_mem>> -> memref<!tpu.dma_semaphore, #tpu.memory_space<semaphore_mem>>
    %dma_wait3A_391 = arith.constant 0 : i32
    %dma_wait3A_392 = tpu.memref_slice %arg3[%add3A_379, %dma_wait3A_391] : memref<16384x1024xf32, #tpu.memory_space<hbm>> -> memref<32x1024xf32, #tpu.memory_space<hbm>>
    %dma_wait3A_393 = arith.constant 0 : i32
    %dma_wait3A_394 = arith.constant 0 : i32
    %dma_wait3A_395 = tpu.memref_slice %arg4[%dma_wait3A_380, %dma_wait3A_393, %dma_wait3A_394] : memref<3x32x1024xf32, #tpu.memory_space<vmem>> -> memref<1x32x1024xf32, #tpu.memory_space<vmem>>
    %dma_wait3A_396 = tpu.memref_squeeze %dma_wait3A_395 : memref<1x32x1024xf32, #tpu.memory_space<vmem>> -> memref<32x1024xf32, #tpu.memory_space<vmem>>
    tpu.wait_dma2 semaphore(%dma_wait3A_390 : memref<!tpu.dma_semaphore, #tpu.memory_space<semaphore_mem>>) src(%dma_wait3A_396 : memref<32x1024xf32, #tpu.memory_space<vmem>>) dst(%dma_wait3A_392 : memref<32x1024xf32, #tpu.memory_space<hbm>>)
    %add3A_397 = arith.constant 160 : i32
    %add3A_398 = arith.addi %mul3A_2, %add3A_397 : i32
    %dma_start3A_399 = arith.constant 2 : i32
    %dma_start3A_400 = arith.constant 2 : i32
    %dma_start3A_401 = arith.constant 0 : i32
    %dma_start3A_402 = arith.constant 0 : i32
    %dma_start3A_403 = tpu.memref_slice %arg4[%dma_start3A_399, %dma_start3A_401, %dma_start3A_402] : memref<3x32x1024xf32, #tpu.memory_space<vmem>> -> memref<1x32x1024xf32, #tpu.memory_space<vmem>>
    %dma_start3A_404 = tpu.memref_squeeze %dma_start3A_403 : memref<1x32x1024xf32, #tpu.memory_space<vmem>> -> memref<32x1024xf32, #tpu.memory_space<vmem>>
    %dma_start3A_405 = arith.constant 0 : i32
    %dma_start3A_406 = tpu.memref_slice %arg2[%add3A_398, %dma_start3A_405] : memref<8192x1024xf32, #tpu.memory_space<hbm>> -> memref<32x1024xf32, #tpu.memory_space<hbm>>
    %dma_start3A_407 = tpu.memref_slice %arg5[%dma_start3A_400] : memref<3x!tpu.dma_semaphore, #tpu.memory_space<semaphore_mem>> -> memref<1x!tpu.dma_semaphore, #tpu.memory_space<semaphore_mem>>
    %dma_start3A_408 = tpu.memref_squeeze %dma_start3A_407 : memref<1x!tpu.dma_semaphore, #tpu.memory_space<semaphore_mem>> -> memref<!tpu.dma_semaphore, #tpu.memory_space<semaphore_mem>>
    %dma_start3A_409 = arith.constant 0 : i32
    %dma_start3A_410 = arith.constant 0 : i32
    %dma_start3A_411 = tpu.memref_slice %arg4[%dma_start3A_399, %dma_start3A_409, %dma_start3A_410] : memref<3x32x1024xf32, #tpu.memory_space<vmem>> -> memref<1x32x1024xf32, #tpu.memory_space<vmem>>
    %dma_start3A_412 = tpu.memref_squeeze %dma_start3A_411 : memref<1x32x1024xf32, #tpu.memory_space<vmem>> -> memref<32x1024xf32, #tpu.memory_space<vmem>>
    %dma_start3A_413 = arith.constant 0 : i32
    %dma_start3A_414 = tpu.memref_slice %arg2[%add3A_398, %dma_start3A_413] : memref<8192x1024xf32, #tpu.memory_space<hbm>> -> memref<32x1024xf32, #tpu.memory_space<hbm>>
    tpu.enqueue_dma source(%dma_start3A_414 : memref<32x1024xf32, #tpu.memory_space<hbm>>) target(%dma_start3A_412 : memref<32x1024xf32, #tpu.memory_space<vmem>>) target_semaphore(%dma_start3A_408 : memref<!tpu.dma_semaphore, #tpu.memory_space<semaphore_mem>>)
    %add3A_415 = arith.constant 96 : i32
    %add3A_416 = arith.addi %mul3A_2, %add3A_415 : i32
    %dma_wait3A_417 = arith.constant 0 : i32
    %dma_wait3A_418 = arith.constant 0 : i32
    %dma_wait3A_419 = arith.constant 0 : i32
    %dma_wait3A_420 = arith.constant 0 : i32
    %dma_wait3A_421 = tpu.memref_slice %arg4[%dma_wait3A_417, %dma_wait3A_419, %dma_wait3A_420] : memref<3x32x1024xf32, #tpu.memory_space<vmem>> -> memref<1x32x1024xf32, #tpu.memory_space<vmem>>
    %dma_wait3A_422 = tpu.memref_squeeze %dma_wait3A_421 : memref<1x32x1024xf32, #tpu.memory_space<vmem>> -> memref<32x1024xf32, #tpu.memory_space<vmem>>
    %dma_wait3A_423 = arith.constant 0 : i32
    %dma_wait3A_424 = tpu.memref_slice %arg2[%add3A_416, %dma_wait3A_423] : memref<8192x1024xf32, #tpu.memory_space<hbm>> -> memref<32x1024xf32, #tpu.memory_space<hbm>>
    %dma_wait3A_425 = tpu.memref_slice %arg5[%dma_wait3A_418] : memref<3x!tpu.dma_semaphore, #tpu.memory_space<semaphore_mem>> -> memref<1x!tpu.dma_semaphore, #tpu.memory_space<semaphore_mem>>
    %dma_wait3A_426 = tpu.memref_squeeze %dma_wait3A_425 : memref<1x!tpu.dma_semaphore, #tpu.memory_space<semaphore_mem>> -> memref<!tpu.dma_semaphore, #tpu.memory_space<semaphore_mem>>
    %dma_wait3A_427 = arith.constant 0 : i32
    %dma_wait3A_428 = arith.constant 0 : i32
    %dma_wait3A_429 = tpu.memref_slice %arg4[%dma_wait3A_417, %dma_wait3A_427, %dma_wait3A_428] : memref<3x32x1024xf32, #tpu.memory_space<vmem>> -> memref<1x32x1024xf32, #tpu.memory_space<vmem>>
    %dma_wait3A_430 = tpu.memref_squeeze %dma_wait3A_429 : memref<1x32x1024xf32, #tpu.memory_space<vmem>> -> memref<32x1024xf32, #tpu.memory_space<vmem>>
    %dma_wait3A_431 = arith.constant 0 : i32
    %dma_wait3A_432 = tpu.memref_slice %arg2[%add3A_416, %dma_wait3A_431] : memref<8192x1024xf32, #tpu.memory_space<hbm>> -> memref<32x1024xf32, #tpu.memory_space<hbm>>
    tpu.wait_dma2 semaphore(%dma_wait3A_426 : memref<!tpu.dma_semaphore, #tpu.memory_space<semaphore_mem>>) src(%dma_wait3A_432 : memref<32x1024xf32, #tpu.memory_space<hbm>>) dst(%dma_wait3A_430 : memref<32x1024xf32, #tpu.memory_space<vmem>>)
    %add3A_433 = arith.constant 0 : i32
    %add3A_434 = arith.addi %add3A_433, %mul3A_2 : i32
    %add3A_435 = arith.constant 96 : i32
    %add3A_436 = arith.addi %add3A_434, %add3A_435 : i32
    %dma_start3A_437 = arith.constant 0 : i32
    %dma_start3A_438 = arith.constant 0 : i32
    %dma_start3A_439 = arith.constant 0 : i32
    %dma_start3A_440 = arith.constant 0 : i32
    %dma_start3A_441 = arith.constant 0 : i32
    %dma_start3A_442 = tpu.memref_slice %arg4[%dma_start3A_437, %dma_start3A_440, %dma_start3A_441] : memref<3x32x1024xf32, #tpu.memory_space<vmem>> -> memref<1x32x1024xf32, #tpu.memory_space<vmem>>
    %dma_start3A_443 = tpu.memref_squeeze %dma_start3A_442 : memref<1x32x1024xf32, #tpu.memory_space<vmem>> -> memref<32x1024xf32, #tpu.memory_space<vmem>>
    %dma_start3A_444 = arith.constant 0 : i32
    %dma_start3A_445 = tpu.memref_slice %arg3[%add3A_436, %dma_start3A_444] : memref<16384x1024xf32, #tpu.memory_space<hbm>> -> memref<32x1024xf32, #tpu.memory_space<hbm>>
    %dma_start3A_446 = tpu.memref_slice %arg6[%dma_start3A_438, %dma_start3A_439] : memref<3x2x!tpu.dma_semaphore, #tpu.memory_space<semaphore_mem>> -> memref<1x1x!tpu.dma_semaphore, #tpu.memory_space<semaphore_mem>>
    %dma_start3A_447 = tpu.memref_squeeze %dma_start3A_446 : memref<1x1x!tpu.dma_semaphore, #tpu.memory_space<semaphore_mem>> -> memref<!tpu.dma_semaphore, #tpu.memory_space<semaphore_mem>>
    %dma_start3A_448 = arith.constant 0 : i32
    %dma_start3A_449 = tpu.memref_slice %arg3[%add3A_436, %dma_start3A_448] : memref<16384x1024xf32, #tpu.memory_space<hbm>> -> memref<32x1024xf32, #tpu.memory_space<hbm>>
    %dma_start3A_450 = arith.constant 0 : i32
    %dma_start3A_451 = arith.constant 0 : i32
    %dma_start3A_452 = tpu.memref_slice %arg4[%dma_start3A_437, %dma_start3A_450, %dma_start3A_451] : memref<3x32x1024xf32, #tpu.memory_space<vmem>> -> memref<1x32x1024xf32, #tpu.memory_space<vmem>>
    %dma_start3A_453 = tpu.memref_squeeze %dma_start3A_452 : memref<1x32x1024xf32, #tpu.memory_space<vmem>> -> memref<32x1024xf32, #tpu.memory_space<vmem>>
    tpu.enqueue_dma source(%dma_start3A_453 : memref<32x1024xf32, #tpu.memory_space<vmem>>) target(%dma_start3A_449 : memref<32x1024xf32, #tpu.memory_space<hbm>>) target_semaphore(%dma_start3A_447 : memref<!tpu.dma_semaphore, #tpu.memory_space<semaphore_mem>>)
    %add3A_454 = arith.constant 8192 : i32
    %add3A_455 = arith.addi %add3A_454, %mul3A_2 : i32
    %add3A_456 = arith.constant 96 : i32
    %add3A_457 = arith.addi %add3A_455, %add3A_456 : i32
    %dma_start3A_458 = arith.constant 0 : i32
    %dma_start3A_459 = arith.constant 0 : i32
    %dma_start3A_460 = arith.constant 1 : i32
    %dma_start3A_461 = arith.constant 0 : i32
    %dma_start3A_462 = arith.constant 0 : i32
    %dma_start3A_463 = tpu.memref_slice %arg4[%dma_start3A_458, %dma_start3A_461, %dma_start3A_462] : memref<3x32x1024xf32, #tpu.memory_space<vmem>> -> memref<1x32x1024xf32, #tpu.memory_space<vmem>>
    %dma_start3A_464 = tpu.memref_squeeze %dma_start3A_463 : memref<1x32x1024xf32, #tpu.memory_space<vmem>> -> memref<32x1024xf32, #tpu.memory_space<vmem>>
    %dma_start3A_465 = arith.constant 0 : i32
    %dma_start3A_466 = tpu.memref_slice %arg3[%add3A_457, %dma_start3A_465] : memref<16384x1024xf32, #tpu.memory_space<hbm>> -> memref<32x1024xf32, #tpu.memory_space<hbm>>
    %dma_start3A_467 = tpu.memref_slice %arg6[%dma_start3A_459, %dma_start3A_460] : memref<3x2x!tpu.dma_semaphore, #tpu.memory_space<semaphore_mem>> -> memref<1x1x!tpu.dma_semaphore, #tpu.memory_space<semaphore_mem>>
    %dma_start3A_468 = tpu.memref_squeeze %dma_start3A_467 : memref<1x1x!tpu.dma_semaphore, #tpu.memory_space<semaphore_mem>> -> memref<!tpu.dma_semaphore, #tpu.memory_space<semaphore_mem>>
    %dma_start3A_469 = arith.constant 0 : i32
    %dma_start3A_470 = tpu.memref_slice %arg3[%add3A_457, %dma_start3A_469] : memref<16384x1024xf32, #tpu.memory_space<hbm>> -> memref<32x1024xf32, #tpu.memory_space<hbm>>
    %dma_start3A_471 = arith.constant 0 : i32
    %dma_start3A_472 = arith.constant 0 : i32
    %dma_start3A_473 = tpu.memref_slice %arg4[%dma_start3A_458, %dma_start3A_471, %dma_start3A_472] : memref<3x32x1024xf32, #tpu.memory_space<vmem>> -> memref<1x32x1024xf32, #tpu.memory_space<vmem>>
    %dma_start3A_474 = tpu.memref_squeeze %dma_start3A_473 : memref<1x32x1024xf32, #tpu.memory_space<vmem>> -> memref<32x1024xf32, #tpu.memory_space<vmem>>
    tpu.enqueue_dma source(%dma_start3A_474 : memref<32x1024xf32, #tpu.memory_space<vmem>>) target(%dma_start3A_470 : memref<32x1024xf32, #tpu.memory_space<hbm>>) target_semaphore(%dma_start3A_468 : memref<!tpu.dma_semaphore, #tpu.memory_space<semaphore_mem>>)
    %add3A_475 = arith.constant 0 : i32
    %add3A_476 = arith.addi %add3A_475, %mul3A_2 : i32
    %add3A_477 = arith.constant 96 : i32
    %add3A_478 = arith.addi %add3A_476, %add3A_477 : i32
    %dma_wait3A_479 = arith.constant 0 : i32
    %dma_wait3A_480 = arith.constant 0 : i32
    %dma_wait3A_481 = arith.constant 0 : i32
    %dma_wait3A_482 = arith.constant 0 : i32
    %dma_wait3A_483 = arith.constant 0 : i32
    %dma_wait3A_484 = tpu.memref_slice %arg4[%dma_wait3A_479, %dma_wait3A_482, %dma_wait3A_483] : memref<3x32x1024xf32, #tpu.memory_space<vmem>> -> memref<1x32x1024xf32, #tpu.memory_space<vmem>>
    %dma_wait3A_485 = tpu.memref_squeeze %dma_wait3A_484 : memref<1x32x1024xf32, #tpu.memory_space<vmem>> -> memref<32x1024xf32, #tpu.memory_space<vmem>>
    %dma_wait3A_486 = arith.constant 0 : i32
    %dma_wait3A_487 = tpu.memref_slice %arg3[%add3A_478, %dma_wait3A_486] : memref<16384x1024xf32, #tpu.memory_space<hbm>> -> memref<32x1024xf32, #tpu.memory_space<hbm>>
    %dma_wait3A_488 = tpu.memref_slice %arg6[%dma_wait3A_480, %dma_wait3A_481] : memref<3x2x!tpu.dma_semaphore, #tpu.memory_space<semaphore_mem>> -> memref<1x1x!tpu.dma_semaphore, #tpu.memory_space<semaphore_mem>>
    %dma_wait3A_489 = tpu.memref_squeeze %dma_wait3A_488 : memref<1x1x!tpu.dma_semaphore, #tpu.memory_space<semaphore_mem>> -> memref<!tpu.dma_semaphore, #tpu.memory_space<semaphore_mem>>
    %dma_wait3A_490 = arith.constant 0 : i32
    %dma_wait3A_491 = tpu.memref_slice %arg3[%add3A_478, %dma_wait3A_490] : memref<16384x1024xf32, #tpu.memory_space<hbm>> -> memref<32x1024xf32, #tpu.memory_space<hbm>>
    %dma_wait3A_492 = arith.constant 0 : i32
    %dma_wait3A_493 = arith.constant 0 : i32
    %dma_wait3A_494 = tpu.memref_slice %arg4[%dma_wait3A_479, %dma_wait3A_492, %dma_wait3A_493] : memref<3x32x1024xf32, #tpu.memory_space<vmem>> -> memref<1x32x1024xf32, #tpu.memory_space<vmem>>
    %dma_wait3A_495 = tpu.memref_squeeze %dma_wait3A_494 : memref<1x32x1024xf32, #tpu.memory_space<vmem>> -> memref<32x1024xf32, #tpu.memory_space<vmem>>
    tpu.wait_dma2 semaphore(%dma_wait3A_489 : memref<!tpu.dma_semaphore, #tpu.memory_space<semaphore_mem>>) src(%dma_wait3A_495 : memref<32x1024xf32, #tpu.memory_space<vmem>>) dst(%dma_wait3A_491 : memref<32x1024xf32, #tpu.memory_space<hbm>>)
    %add3A_496 = arith.constant 8192 : i32
    %add3A_497 = arith.addi %add3A_496, %mul3A_2 : i32
    %add3A_498 = arith.constant 96 : i32
    %add3A_499 = arith.addi %add3A_497, %add3A_498 : i32
    %dma_wait3A_500 = arith.constant 0 : i32
    %dma_wait3A_501 = arith.constant 0 : i32
    %dma_wait3A_502 = arith.constant 1 : i32
    %dma_wait3A_503 = arith.constant 0 : i32
    %dma_wait3A_504 = arith.constant 0 : i32
    %dma_wait3A_505 = tpu.memref_slice %arg4[%dma_wait3A_500, %dma_wait3A_503, %dma_wait3A_504] : memref<3x32x1024xf32, #tpu.memory_space<vmem>> -> memref<1x32x1024xf32, #tpu.memory_space<vmem>>
    %dma_wait3A_506 = tpu.memref_squeeze %dma_wait3A_505 : memref<1x32x1024xf32, #tpu.memory_space<vmem>> -> memref<32x1024xf32, #tpu.memory_space<vmem>>
    %dma_wait3A_507 = arith.constant 0 : i32
    %dma_wait3A_508 = tpu.memref_slice %arg3[%add3A_499, %dma_wait3A_507] : memref<16384x1024xf32, #tpu.memory_space<hbm>> -> memref<32x1024xf32, #tpu.memory_space<hbm>>
    %dma_wait3A_509 = tpu.memref_slice %arg6[%dma_wait3A_501, %dma_wait3A_502] : memref<3x2x!tpu.dma_semaphore, #tpu.memory_space<semaphore_mem>> -> memref<1x1x!tpu.dma_semaphore, #tpu.memory_space<semaphore_mem>>
    %dma_wait3A_510 = tpu.memref_squeeze %dma_wait3A_509 : memref<1x1x!tpu.dma_semaphore, #tpu.memory_space<semaphore_mem>> -> memref<!tpu.dma_semaphore, #tpu.memory_space<semaphore_mem>>
    %dma_wait3A_511 = arith.constant 0 : i32
    %dma_wait3A_512 = tpu.memref_slice %arg3[%add3A_499, %dma_wait3A_511] : memref<16384x1024xf32, #tpu.memory_space<hbm>> -> memref<32x1024xf32, #tpu.memory_space<hbm>>
    %dma_wait3A_513 = arith.constant 0 : i32
    %dma_wait3A_514 = arith.constant 0 : i32
    %dma_wait3A_515 = tpu.memref_slice %arg4[%dma_wait3A_500, %dma_wait3A_513, %dma_wait3A_514] : memref<3x32x1024xf32, #tpu.memory_space<vmem>> -> memref<1x32x1024xf32, #tpu.memory_space<vmem>>
    %dma_wait3A_516 = tpu.memref_squeeze %dma_wait3A_515 : memref<1x32x1024xf32, #tpu.memory_space<vmem>> -> memref<32x1024xf32, #tpu.memory_space<vmem>>
    tpu.wait_dma2 semaphore(%dma_wait3A_510 : memref<!tpu.dma_semaphore, #tpu.memory_space<semaphore_mem>>) src(%dma_wait3A_516 : memref<32x1024xf32, #tpu.memory_space<vmem>>) dst(%dma_wait3A_512 : memref<32x1024xf32, #tpu.memory_space<hbm>>)
    %add3A_517 = arith.constant 192 : i32
    %add3A_518 = arith.addi %mul3A_2, %add3A_517 : i32
    %dma_start3A_519 = arith.constant 0 : i32
    %dma_start3A_520 = arith.constant 0 : i32
    %dma_start3A_521 = arith.constant 0 : i32
    %dma_start3A_522 = arith.constant 0 : i32
    %dma_start3A_523 = tpu.memref_slice %arg4[%dma_start3A_519, %dma_start3A_521, %dma_start3A_522] : memref<3x32x1024xf32, #tpu.memory_space<vmem>> -> memref<1x32x1024xf32, #tpu.memory_space<vmem>>
    %dma_start3A_524 = tpu.memref_squeeze %dma_start3A_523 : memref<1x32x1024xf32, #tpu.memory_space<vmem>> -> memref<32x1024xf32, #tpu.memory_space<vmem>>
    %dma_start3A_525 = arith.constant 0 : i32
    %dma_start3A_526 = tpu.memref_slice %arg2[%add3A_518, %dma_start3A_525] : memref<8192x1024xf32, #tpu.memory_space<hbm>> -> memref<32x1024xf32, #tpu.memory_space<hbm>>
    %dma_start3A_527 = tpu.memref_slice %arg5[%dma_start3A_520] : memref<3x!tpu.dma_semaphore, #tpu.memory_space<semaphore_mem>> -> memref<1x!tpu.dma_semaphore, #tpu.memory_space<semaphore_mem>>
    %dma_start3A_528 = tpu.memref_squeeze %dma_start3A_527 : memref<1x!tpu.dma_semaphore, #tpu.memory_space<semaphore_mem>> -> memref<!tpu.dma_semaphore, #tpu.memory_space<semaphore_mem>>
    %dma_start3A_529 = arith.constant 0 : i32
    %dma_start3A_530 = arith.constant 0 : i32
    %dma_start3A_531 = tpu.memref_slice %arg4[%dma_start3A_519, %dma_start3A_529, %dma_start3A_530] : memref<3x32x1024xf32, #tpu.memory_space<vmem>> -> memref<1x32x1024xf32, #tpu.memory_space<vmem>>
    %dma_start3A_532 = tpu.memref_squeeze %dma_start3A_531 : memref<1x32x1024xf32, #tpu.memory_space<vmem>> -> memref<32x1024xf32, #tpu.memory_space<vmem>>
    %dma_start3A_533 = arith.constant 0 : i32
    %dma_start3A_534 = tpu.memref_slice %arg2[%add3A_518, %dma_start3A_533] : memref<8192x1024xf32, #tpu.memory_space<hbm>> -> memref<32x1024xf32, #tpu.memory_space<hbm>>
    tpu.enqueue_dma source(%dma_start3A_534 : memref<32x1024xf32, #tpu.memory_space<hbm>>) target(%dma_start3A_532 : memref<32x1024xf32, #tpu.memory_space<vmem>>) target_semaphore(%dma_start3A_528 : memref<!tpu.dma_semaphore, #tpu.memory_space<semaphore_mem>>)
    %add3A_535 = arith.constant 128 : i32
    %add3A_536 = arith.addi %mul3A_2, %add3A_535 : i32
    %dma_wait3A_537 = arith.constant 1 : i32
    %dma_wait3A_538 = arith.constant 1 : i32
    %dma_wait3A_539 = arith.constant 0 : i32
    %dma_wait3A_540 = arith.constant 0 : i32
    %dma_wait3A_541 = tpu.memref_slice %arg4[%dma_wait3A_537, %dma_wait3A_539, %dma_wait3A_540] : memref<3x32x1024xf32, #tpu.memory_space<vmem>> -> memref<1x32x1024xf32, #tpu.memory_space<vmem>>
    %dma_wait3A_542 = tpu.memref_squeeze %dma_wait3A_541 : memref<1x32x1024xf32, #tpu.memory_space<vmem>> -> memref<32x1024xf32, #tpu.memory_space<vmem>>
    %dma_wait3A_543 = arith.constant 0 : i32
    %dma_wait3A_544 = tpu.memref_slice %arg2[%add3A_536, %dma_wait3A_543] : memref<8192x1024xf32, #tpu.memory_space<hbm>> -> memref<32x1024xf32, #tpu.memory_space<hbm>>
    %dma_wait3A_545 = tpu.memref_slice %arg5[%dma_wait3A_538] : memref<3x!tpu.dma_semaphore, #tpu.memory_space<semaphore_mem>> -> memref<1x!tpu.dma_semaphore, #tpu.memory_space<semaphore_mem>>
    %dma_wait3A_546 = tpu.memref_squeeze %dma_wait3A_545 : memref<1x!tpu.dma_semaphore, #tpu.memory_space<semaphore_mem>> -> memref<!tpu.dma_semaphore, #tpu.memory_space<semaphore_mem>>
    %dma_wait3A_547 = arith.constant 0 : i32
    %dma_wait3A_548 = arith.constant 0 : i32
    %dma_wait3A_549 = tpu.memref_slice %arg4[%dma_wait3A_537, %dma_wait3A_547, %dma_wait3A_548] : memref<3x32x1024xf32, #tpu.memory_space<vmem>> -> memref<1x32x1024xf32, #tpu.memory_space<vmem>>
    %dma_wait3A_550 = tpu.memref_squeeze %dma_wait3A_549 : memref<1x32x1024xf32, #tpu.memory_space<vmem>> -> memref<32x1024xf32, #tpu.memory_space<vmem>>
    %dma_wait3A_551 = arith.constant 0 : i32
    %dma_wait3A_552 = tpu.memref_slice %arg2[%add3A_536, %dma_wait3A_551] : memref<8192x1024xf32, #tpu.memory_space<hbm>> -> memref<32x1024xf32, #tpu.memory_space<hbm>>
    tpu.wait_dma2 semaphore(%dma_wait3A_546 : memref<!tpu.dma_semaphore, #tpu.memory_space<semaphore_mem>>) src(%dma_wait3A_552 : memref<32x1024xf32, #tpu.memory_space<hbm>>) dst(%dma_wait3A_550 : memref<32x1024xf32, #tpu.memory_space<vmem>>)
    %add3A_553 = arith.constant 0 : i32
    %add3A_554 = arith.addi %add3A_553, %mul3A_2 : i32
    %add3A_555 = arith.constant 128 : i32
    %add3A_556 = arith.addi %add3A_554, %add3A_555 : i32
    %dma_start3A_557 = arith.constant 1 : i32
    %dma_start3A_558 = arith.constant 1 : i32
    %dma_start3A_559 = arith.constant 0 : i32
    %dma_start3A_560 = arith.constant 0 : i32
    %dma_start3A_561 = arith.constant 0 : i32
    %dma_start3A_562 = tpu.memref_slice %arg4[%dma_start3A_557, %dma_start3A_560, %dma_start3A_561] : memref<3x32x1024xf32, #tpu.memory_space<vmem>> -> memref<1x32x1024xf32, #tpu.memory_space<vmem>>
    %dma_start3A_563 = tpu.memref_squeeze %dma_start3A_562 : memref<1x32x1024xf32, #tpu.memory_space<vmem>> -> memref<32x1024xf32, #tpu.memory_space<vmem>>
    %dma_start3A_564 = arith.constant 0 : i32
    %dma_start3A_565 = tpu.memref_slice %arg3[%add3A_556, %dma_start3A_564] : memref<16384x1024xf32, #tpu.memory_space<hbm>> -> memref<32x1024xf32, #tpu.memory_space<hbm>>
    %dma_start3A_566 = tpu.memref_slice %arg6[%dma_start3A_558, %dma_start3A_559] : memref<3x2x!tpu.dma_semaphore, #tpu.memory_space<semaphore_mem>> -> memref<1x1x!tpu.dma_semaphore, #tpu.memory_space<semaphore_mem>>
    %dma_start3A_567 = tpu.memref_squeeze %dma_start3A_566 : memref<1x1x!tpu.dma_semaphore, #tpu.memory_space<semaphore_mem>> -> memref<!tpu.dma_semaphore, #tpu.memory_space<semaphore_mem>>
    %dma_start3A_568 = arith.constant 0 : i32
    %dma_start3A_569 = tpu.memref_slice %arg3[%add3A_556, %dma_start3A_568] : memref<16384x1024xf32, #tpu.memory_space<hbm>> -> memref<32x1024xf32, #tpu.memory_space<hbm>>
    %dma_start3A_570 = arith.constant 0 : i32
    %dma_start3A_571 = arith.constant 0 : i32
    %dma_start3A_572 = tpu.memref_slice %arg4[%dma_start3A_557, %dma_start3A_570, %dma_start3A_571] : memref<3x32x1024xf32, #tpu.memory_space<vmem>> -> memref<1x32x1024xf32, #tpu.memory_space<vmem>>
    %dma_start3A_573 = tpu.memref_squeeze %dma_start3A_572 : memref<1x32x1024xf32, #tpu.memory_space<vmem>> -> memref<32x1024xf32, #tpu.memory_space<vmem>>
    tpu.enqueue_dma source(%dma_start3A_573 : memref<32x1024xf32, #tpu.memory_space<vmem>>) target(%dma_start3A_569 : memref<32x1024xf32, #tpu.memory_space<hbm>>) target_semaphore(%dma_start3A_567 : memref<!tpu.dma_semaphore, #tpu.memory_space<semaphore_mem>>)
    %add3A_574 = arith.constant 8192 : i32
    %add3A_575 = arith.addi %add3A_574, %mul3A_2 : i32
    %add3A_576 = arith.constant 128 : i32
    %add3A_577 = arith.addi %add3A_575, %add3A_576 : i32
    %dma_start3A_578 = arith.constant 1 : i32
    %dma_start3A_579 = arith.constant 1 : i32
    %dma_start3A_580 = arith.constant 1 : i32
    %dma_start3A_581 = arith.constant 0 : i32
    %dma_start3A_582 = arith.constant 0 : i32
    %dma_start3A_583 = tpu.memref_slice %arg4[%dma_start3A_578, %dma_start3A_581, %dma_start3A_582] : memref<3x32x1024xf32, #tpu.memory_space<vmem>> -> memref<1x32x1024xf32, #tpu.memory_space<vmem>>
    %dma_start3A_584 = tpu.memref_squeeze %dma_start3A_583 : memref<1x32x1024xf32, #tpu.memory_space<vmem>> -> memref<32x1024xf32, #tpu.memory_space<vmem>>
    %dma_start3A_585 = arith.constant 0 : i32
    %dma_start3A_586 = tpu.memref_slice %arg3[%add3A_577, %dma_start3A_585] : memref<16384x1024xf32, #tpu.memory_space<hbm>> -> memref<32x1024xf32, #tpu.memory_space<hbm>>
    %dma_start3A_587 = tpu.memref_slice %arg6[%dma_start3A_579, %dma_start3A_580] : memref<3x2x!tpu.dma_semaphore, #tpu.memory_space<semaphore_mem>> -> memref<1x1x!tpu.dma_semaphore, #tpu.memory_space<semaphore_mem>>
    %dma_start3A_588 = tpu.memref_squeeze %dma_start3A_587 : memref<1x1x!tpu.dma_semaphore, #tpu.memory_space<semaphore_mem>> -> memref<!tpu.dma_semaphore, #tpu.memory_space<semaphore_mem>>
    %dma_start3A_589 = arith.constant 0 : i32
    %dma_start3A_590 = tpu.memref_slice %arg3[%add3A_577, %dma_start3A_589] : memref<16384x1024xf32, #tpu.memory_space<hbm>> -> memref<32x1024xf32, #tpu.memory_space<hbm>>
    %dma_start3A_591 = arith.constant 0 : i32
    %dma_start3A_592 = arith.constant 0 : i32
    %dma_start3A_593 = tpu.memref_slice %arg4[%dma_start3A_578, %dma_start3A_591, %dma_start3A_592] : memref<3x32x1024xf32, #tpu.memory_space<vmem>> -> memref<1x32x1024xf32, #tpu.memory_space<vmem>>
    %dma_start3A_594 = tpu.memref_squeeze %dma_start3A_593 : memref<1x32x1024xf32, #tpu.memory_space<vmem>> -> memref<32x1024xf32, #tpu.memory_space<vmem>>
    tpu.enqueue_dma source(%dma_start3A_594 : memref<32x1024xf32, #tpu.memory_space<vmem>>) target(%dma_start3A_590 : memref<32x1024xf32, #tpu.memory_space<hbm>>) target_semaphore(%dma_start3A_588 : memref<!tpu.dma_semaphore, #tpu.memory_space<semaphore_mem>>)
    %add3A_595 = arith.constant 0 : i32
    %add3A_596 = arith.addi %add3A_595, %mul3A_2 : i32
    %add3A_597 = arith.constant 128 : i32
    %add3A_598 = arith.addi %add3A_596, %add3A_597 : i32
    %dma_wait3A_599 = arith.constant 1 : i32
    %dma_wait3A_600 = arith.constant 1 : i32
    %dma_wait3A_601 = arith.constant 0 : i32
    %dma_wait3A_602 = arith.constant 0 : i32
    %dma_wait3A_603 = arith.constant 0 : i32
    %dma_wait3A_604 = tpu.memref_slice %arg4[%dma_wait3A_599, %dma_wait3A_602, %dma_wait3A_603] : memref<3x32x1024xf32, #tpu.memory_space<vmem>> -> memref<1x32x1024xf32, #tpu.memory_space<vmem>>
    %dma_wait3A_605 = tpu.memref_squeeze %dma_wait3A_604 : memref<1x32x1024xf32, #tpu.memory_space<vmem>> -> memref<32x1024xf32, #tpu.memory_space<vmem>>
    %dma_wait3A_606 = arith.constant 0 : i32
    %dma_wait3A_607 = tpu.memref_slice %arg3[%add3A_598, %dma_wait3A_606] : memref<16384x1024xf32, #tpu.memory_space<hbm>> -> memref<32x1024xf32, #tpu.memory_space<hbm>>
    %dma_wait3A_608 = tpu.memref_slice %arg6[%dma_wait3A_600, %dma_wait3A_601] : memref<3x2x!tpu.dma_semaphore, #tpu.memory_space<semaphore_mem>> -> memref<1x1x!tpu.dma_semaphore, #tpu.memory_space<semaphore_mem>>
    %dma_wait3A_609 = tpu.memref_squeeze %dma_wait3A_608 : memref<1x1x!tpu.dma_semaphore, #tpu.memory_space<semaphore_mem>> -> memref<!tpu.dma_semaphore, #tpu.memory_space<semaphore_mem>>
    %dma_wait3A_610 = arith.constant 0 : i32
    %dma_wait3A_611 = tpu.memref_slice %arg3[%add3A_598, %dma_wait3A_610] : memref<16384x1024xf32, #tpu.memory_space<hbm>> -> memref<32x1024xf32, #tpu.memory_space<hbm>>
    %dma_wait3A_612 = arith.constant 0 : i32
    %dma_wait3A_613 = arith.constant 0 : i32
    %dma_wait3A_614 = tpu.memref_slice %arg4[%dma_wait3A_599, %dma_wait3A_612, %dma_wait3A_613] : memref<3x32x1024xf32, #tpu.memory_space<vmem>> -> memref<1x32x1024xf32, #tpu.memory_space<vmem>>
    %dma_wait3A_615 = tpu.memref_squeeze %dma_wait3A_614 : memref<1x32x1024xf32, #tpu.memory_space<vmem>> -> memref<32x1024xf32, #tpu.memory_space<vmem>>
    tpu.wait_dma2 semaphore(%dma_wait3A_609 : memref<!tpu.dma_semaphore, #tpu.memory_space<semaphore_mem>>) src(%dma_wait3A_615 : memref<32x1024xf32, #tpu.memory_space<vmem>>) dst(%dma_wait3A_611 : memref<32x1024xf32, #tpu.memory_space<hbm>>)
    %add3A_616 = arith.constant 8192 : i32
    %add3A_617 = arith.addi %add3A_616, %mul3A_2 : i32
    %add3A_618 = arith.constant 128 : i32
    %add3A_619 = arith.addi %add3A_617, %add3A_618 : i32
    %dma_wait3A_620 = arith.constant 1 : i32
    %dma_wait3A_621 = arith.constant 1 : i32
    %dma_wait3A_622 = arith.constant 1 : i32
    %dma_wait3A_623 = arith.constant 0 : i32
    %dma_wait3A_624 = arith.constant 0 : i32
    %dma_wait3A_625 = tpu.memref_slice %arg4[%dma_wait3A_620, %dma_wait3A_623, %dma_wait3A_624] : memref<3x32x1024xf32, #tpu.memory_space<vmem>> -> memref<1x32x1024xf32, #tpu.memory_space<vmem>>
    %dma_wait3A_626 = tpu.memref_squeeze %dma_wait3A_625 : memref<1x32x1024xf32, #tpu.memory_space<vmem>> -> memref<32x1024xf32, #tpu.memory_space<vmem>>
    %dma_wait3A_627 = arith.constant 0 : i32
    %dma_wait3A_628 = tpu.memref_slice %arg3[%add3A_619, %dma_wait3A_627] : memref<16384x1024xf32, #tpu.memory_space<hbm>> -> memref<32x1024xf32, #tpu.memory_space<hbm>>
    %dma_wait3A_629 = tpu.memref_slice %arg6[%dma_wait3A_621, %dma_wait3A_622] : memref<3x2x!tpu.dma_semaphore, #tpu.memory_space<semaphore_mem>> -> memref<1x1x!tpu.dma_semaphore, #tpu.memory_space<semaphore_mem>>
    %dma_wait3A_630 = tpu.memref_squeeze %dma_wait3A_629 : memref<1x1x!tpu.dma_semaphore, #tpu.memory_space<semaphore_mem>> -> memref<!tpu.dma_semaphore, #tpu.memory_space<semaphore_mem>>
    %dma_wait3A_631 = arith.constant 0 : i32
    %dma_wait3A_632 = tpu.memref_slice %arg3[%add3A_619, %dma_wait3A_631] : memref<16384x1024xf32, #tpu.memory_space<hbm>> -> memref<32x1024xf32, #tpu.memory_space<hbm>>
    %dma_wait3A_633 = arith.constant 0 : i32
    %dma_wait3A_634 = arith.constant 0 : i32
    %dma_wait3A_635 = tpu.memref_slice %arg4[%dma_wait3A_620, %dma_wait3A_633, %dma_wait3A_634] : memref<3x32x1024xf32, #tpu.memory_space<vmem>> -> memref<1x32x1024xf32, #tpu.memory_space<vmem>>
    %dma_wait3A_636 = tpu.memref_squeeze %dma_wait3A_635 : memref<1x32x1024xf32, #tpu.memory_space<vmem>> -> memref<32x1024xf32, #tpu.memory_space<vmem>>
    tpu.wait_dma2 semaphore(%dma_wait3A_630 : memref<!tpu.dma_semaphore, #tpu.memory_space<semaphore_mem>>) src(%dma_wait3A_636 : memref<32x1024xf32, #tpu.memory_space<vmem>>) dst(%dma_wait3A_632 : memref<32x1024xf32, #tpu.memory_space<hbm>>)
    %add3A_637 = arith.constant 224 : i32
    %add3A_638 = arith.addi %mul3A_2, %add3A_637 : i32
    %dma_start3A_639 = arith.constant 1 : i32
    %dma_start3A_640 = arith.constant 1 : i32
    %dma_start3A_641 = arith.constant 0 : i32
    %dma_start3A_642 = arith.constant 0 : i32
    %dma_start3A_643 = tpu.memref_slice %arg4[%dma_start3A_639, %dma_start3A_641, %dma_start3A_642] : memref<3x32x1024xf32, #tpu.memory_space<vmem>> -> memref<1x32x1024xf32, #tpu.memory_space<vmem>>
    %dma_start3A_644 = tpu.memref_squeeze %dma_start3A_643 : memref<1x32x1024xf32, #tpu.memory_space<vmem>> -> memref<32x1024xf32, #tpu.memory_space<vmem>>
    %dma_start3A_645 = arith.constant 0 : i32
    %dma_start3A_646 = tpu.memref_slice %arg2[%add3A_638, %dma_start3A_645] : memref<8192x1024xf32, #tpu.memory_space<hbm>> -> memref<32x1024xf32, #tpu.memory_space<hbm>>
    %dma_start3A_647 = tpu.memref_slice %arg5[%dma_start3A_640] : memref<3x!tpu.dma_semaphore, #tpu.memory_space<semaphore_mem>> -> memref<1x!tpu.dma_semaphore, #tpu.memory_space<semaphore_mem>>
    %dma_start3A_648 = tpu.memref_squeeze %dma_start3A_647 : memref<1x!tpu.dma_semaphore, #tpu.memory_space<semaphore_mem>> -> memref<!tpu.dma_semaphore, #tpu.memory_space<semaphore_mem>>
    %dma_start3A_649 = arith.constant 0 : i32
    %dma_start3A_650 = arith.constant 0 : i32
    %dma_start3A_651 = tpu.memref_slice %arg4[%dma_start3A_639, %dma_start3A_649, %dma_start3A_650] : memref<3x32x1024xf32, #tpu.memory_space<vmem>> -> memref<1x32x1024xf32, #tpu.memory_space<vmem>>
    %dma_start3A_652 = tpu.memref_squeeze %dma_start3A_651 : memref<1x32x1024xf32, #tpu.memory_space<vmem>> -> memref<32x1024xf32, #tpu.memory_space<vmem>>
    %dma_start3A_653 = arith.constant 0 : i32
    %dma_start3A_654 = tpu.memref_slice %arg2[%add3A_638, %dma_start3A_653] : memref<8192x1024xf32, #tpu.memory_space<hbm>> -> memref<32x1024xf32, #tpu.memory_space<hbm>>
    tpu.enqueue_dma source(%dma_start3A_654 : memref<32x1024xf32, #tpu.memory_space<hbm>>) target(%dma_start3A_652 : memref<32x1024xf32, #tpu.memory_space<vmem>>) target_semaphore(%dma_start3A_648 : memref<!tpu.dma_semaphore, #tpu.memory_space<semaphore_mem>>)
    %add3A_655 = arith.constant 160 : i32
    %add3A_656 = arith.addi %mul3A_2, %add3A_655 : i32
    %dma_wait3A_657 = arith.constant 2 : i32
    %dma_wait3A_658 = arith.constant 2 : i32
    %dma_wait3A_659 = arith.constant 0 : i32
    %dma_wait3A_660 = arith.constant 0 : i32
    %dma_wait3A_661 = tpu.memref_slice %arg4[%dma_wait3A_657, %dma_wait3A_659, %dma_wait3A_660] : memref<3x32x1024xf32, #tpu.memory_space<vmem>> -> memref<1x32x1024xf32, #tpu.memory_space<vmem>>
    %dma_wait3A_662 = tpu.memref_squeeze %dma_wait3A_661 : memref<1x32x1024xf32, #tpu.memory_space<vmem>> -> memref<32x1024xf32, #tpu.memory_space<vmem>>
    %dma_wait3A_663 = arith.constant 0 : i32
    %dma_wait3A_664 = tpu.memref_slice %arg2[%add3A_656, %dma_wait3A_663] : memref<8192x1024xf32, #tpu.memory_space<hbm>> -> memref<32x1024xf32, #tpu.memory_space<hbm>>
    %dma_wait3A_665 = tpu.memref_slice %arg5[%dma_wait3A_658] : memref<3x!tpu.dma_semaphore, #tpu.memory_space<semaphore_mem>> -> memref<1x!tpu.dma_semaphore, #tpu.memory_space<semaphore_mem>>
    %dma_wait3A_666 = tpu.memref_squeeze %dma_wait3A_665 : memref<1x!tpu.dma_semaphore, #tpu.memory_space<semaphore_mem>> -> memref<!tpu.dma_semaphore, #tpu.memory_space<semaphore_mem>>
    %dma_wait3A_667 = arith.constant 0 : i32
    %dma_wait3A_668 = arith.constant 0 : i32
    %dma_wait3A_669 = tpu.memref_slice %arg4[%dma_wait3A_657, %dma_wait3A_667, %dma_wait3A_668] : memref<3x32x1024xf32, #tpu.memory_space<vmem>> -> memref<1x32x1024xf32, #tpu.memory_space<vmem>>
    %dma_wait3A_670 = tpu.memref_squeeze %dma_wait3A_669 : memref<1x32x1024xf32, #tpu.memory_space<vmem>> -> memref<32x1024xf32, #tpu.memory_space<vmem>>
    %dma_wait3A_671 = arith.constant 0 : i32
    %dma_wait3A_672 = tpu.memref_slice %arg2[%add3A_656, %dma_wait3A_671] : memref<8192x1024xf32, #tpu.memory_space<hbm>> -> memref<32x1024xf32, #tpu.memory_space<hbm>>
    tpu.wait_dma2 semaphore(%dma_wait3A_666 : memref<!tpu.dma_semaphore, #tpu.memory_space<semaphore_mem>>) src(%dma_wait3A_672 : memref<32x1024xf32, #tpu.memory_space<hbm>>) dst(%dma_wait3A_670 : memref<32x1024xf32, #tpu.memory_space<vmem>>)
    %add3A_673 = arith.constant 0 : i32
    %add3A_674 = arith.addi %add3A_673, %mul3A_2 : i32
    %add3A_675 = arith.constant 160 : i32
    %add3A_676 = arith.addi %add3A_674, %add3A_675 : i32
    %dma_start3A_677 = arith.constant 2 : i32
    %dma_start3A_678 = arith.constant 2 : i32
    %dma_start3A_679 = arith.constant 0 : i32
    %dma_start3A_680 = arith.constant 0 : i32
    %dma_start3A_681 = arith.constant 0 : i32
    %dma_start3A_682 = tpu.memref_slice %arg4[%dma_start3A_677, %dma_start3A_680, %dma_start3A_681] : memref<3x32x1024xf32, #tpu.memory_space<vmem>> -> memref<1x32x1024xf32, #tpu.memory_space<vmem>>
    %dma_start3A_683 = tpu.memref_squeeze %dma_start3A_682 : memref<1x32x1024xf32, #tpu.memory_space<vmem>> -> memref<32x1024xf32, #tpu.memory_space<vmem>>
    %dma_start3A_684 = arith.constant 0 : i32
    %dma_start3A_685 = tpu.memref_slice %arg3[%add3A_676, %dma_start3A_684] : memref<16384x1024xf32, #tpu.memory_space<hbm>> -> memref<32x1024xf32, #tpu.memory_space<hbm>>
    %dma_start3A_686 = tpu.memref_slice %arg6[%dma_start3A_678, %dma_start3A_679] : memref<3x2x!tpu.dma_semaphore, #tpu.memory_space<semaphore_mem>> -> memref<1x1x!tpu.dma_semaphore, #tpu.memory_space<semaphore_mem>>
    %dma_start3A_687 = tpu.memref_squeeze %dma_start3A_686 : memref<1x1x!tpu.dma_semaphore, #tpu.memory_space<semaphore_mem>> -> memref<!tpu.dma_semaphore, #tpu.memory_space<semaphore_mem>>
    %dma_start3A_688 = arith.constant 0 : i32
    %dma_start3A_689 = tpu.memref_slice %arg3[%add3A_676, %dma_start3A_688] : memref<16384x1024xf32, #tpu.memory_space<hbm>> -> memref<32x1024xf32, #tpu.memory_space<hbm>>
    %dma_start3A_690 = arith.constant 0 : i32
    %dma_start3A_691 = arith.constant 0 : i32
    %dma_start3A_692 = tpu.memref_slice %arg4[%dma_start3A_677, %dma_start3A_690, %dma_start3A_691] : memref<3x32x1024xf32, #tpu.memory_space<vmem>> -> memref<1x32x1024xf32, #tpu.memory_space<vmem>>
    %dma_start3A_693 = tpu.memref_squeeze %dma_start3A_692 : memref<1x32x1024xf32, #tpu.memory_space<vmem>> -> memref<32x1024xf32, #tpu.memory_space<vmem>>
    tpu.enqueue_dma source(%dma_start3A_693 : memref<32x1024xf32, #tpu.memory_space<vmem>>) target(%dma_start3A_689 : memref<32x1024xf32, #tpu.memory_space<hbm>>) target_semaphore(%dma_start3A_687 : memref<!tpu.dma_semaphore, #tpu.memory_space<semaphore_mem>>)
    %add3A_694 = arith.constant 8192 : i32
    %add3A_695 = arith.addi %add3A_694, %mul3A_2 : i32
    %add3A_696 = arith.constant 160 : i32
    %add3A_697 = arith.addi %add3A_695, %add3A_696 : i32
    %dma_start3A_698 = arith.constant 2 : i32
    %dma_start3A_699 = arith.constant 2 : i32
    %dma_start3A_700 = arith.constant 1 : i32
    %dma_start3A_701 = arith.constant 0 : i32
    %dma_start3A_702 = arith.constant 0 : i32
    %dma_start3A_703 = tpu.memref_slice %arg4[%dma_start3A_698, %dma_start3A_701, %dma_start3A_702] : memref<3x32x1024xf32, #tpu.memory_space<vmem>> -> memref<1x32x1024xf32, #tpu.memory_space<vmem>>
    %dma_start3A_704 = tpu.memref_squeeze %dma_start3A_703 : memref<1x32x1024xf32, #tpu.memory_space<vmem>> -> memref<32x1024xf32, #tpu.memory_space<vmem>>
    %dma_start3A_705 = arith.constant 0 : i32
    %dma_start3A_706 = tpu.memref_slice %arg3[%add3A_697, %dma_start3A_705] : memref<16384x1024xf32, #tpu.memory_space<hbm>> -> memref<32x1024xf32, #tpu.memory_space<hbm>>
    %dma_start3A_707 = tpu.memref_slice %arg6[%dma_start3A_699, %dma_start3A_700] : memref<3x2x!tpu.dma_semaphore, #tpu.memory_space<semaphore_mem>> -> memref<1x1x!tpu.dma_semaphore, #tpu.memory_space<semaphore_mem>>
    %dma_start3A_708 = tpu.memref_squeeze %dma_start3A_707 : memref<1x1x!tpu.dma_semaphore, #tpu.memory_space<semaphore_mem>> -> memref<!tpu.dma_semaphore, #tpu.memory_space<semaphore_mem>>
    %dma_start3A_709 = arith.constant 0 : i32
    %dma_start3A_710 = tpu.memref_slice %arg3[%add3A_697, %dma_start3A_709] : memref<16384x1024xf32, #tpu.memory_space<hbm>> -> memref<32x1024xf32, #tpu.memory_space<hbm>>
    %dma_start3A_711 = arith.constant 0 : i32
    %dma_start3A_712 = arith.constant 0 : i32
    %dma_start3A_713 = tpu.memref_slice %arg4[%dma_start3A_698, %dma_start3A_711, %dma_start3A_712] : memref<3x32x1024xf32, #tpu.memory_space<vmem>> -> memref<1x32x1024xf32, #tpu.memory_space<vmem>>
    %dma_start3A_714 = tpu.memref_squeeze %dma_start3A_713 : memref<1x32x1024xf32, #tpu.memory_space<vmem>> -> memref<32x1024xf32, #tpu.memory_space<vmem>>
    tpu.enqueue_dma source(%dma_start3A_714 : memref<32x1024xf32, #tpu.memory_space<vmem>>) target(%dma_start3A_710 : memref<32x1024xf32, #tpu.memory_space<hbm>>) target_semaphore(%dma_start3A_708 : memref<!tpu.dma_semaphore, #tpu.memory_space<semaphore_mem>>)
    %add3A_715 = arith.constant 192 : i32
    %add3A_716 = arith.addi %mul3A_2, %add3A_715 : i32
    %dma_wait3A_717 = arith.constant 0 : i32
    %dma_wait3A_718 = arith.constant 0 : i32
    %dma_wait3A_719 = arith.constant 0 : i32
    %dma_wait3A_720 = arith.constant 0 : i32
    %dma_wait3A_721 = tpu.memref_slice %arg4[%dma_wait3A_717, %dma_wait3A_719, %dma_wait3A_720] : memref<3x32x1024xf32, #tpu.memory_space<vmem>> -> memref<1x32x1024xf32, #tpu.memory_space<vmem>>
    %dma_wait3A_722 = tpu.memref_squeeze %dma_wait3A_721 : memref<1x32x1024xf32, #tpu.memory_space<vmem>> -> memref<32x1024xf32, #tpu.memory_space<vmem>>
    %dma_wait3A_723 = arith.constant 0 : i32
    %dma_wait3A_724 = tpu.memref_slice %arg2[%add3A_716, %dma_wait3A_723] : memref<8192x1024xf32, #tpu.memory_space<hbm>> -> memref<32x1024xf32, #tpu.memory_space<hbm>>
    %dma_wait3A_725 = tpu.memref_slice %arg5[%dma_wait3A_718] : memref<3x!tpu.dma_semaphore, #tpu.memory_space<semaphore_mem>> -> memref<1x!tpu.dma_semaphore, #tpu.memory_space<semaphore_mem>>
    %dma_wait3A_726 = tpu.memref_squeeze %dma_wait3A_725 : memref<1x!tpu.dma_semaphore, #tpu.memory_space<semaphore_mem>> -> memref<!tpu.dma_semaphore, #tpu.memory_space<semaphore_mem>>
    %dma_wait3A_727 = arith.constant 0 : i32
    %dma_wait3A_728 = arith.constant 0 : i32
    %dma_wait3A_729 = tpu.memref_slice %arg4[%dma_wait3A_717, %dma_wait3A_727, %dma_wait3A_728] : memref<3x32x1024xf32, #tpu.memory_space<vmem>> -> memref<1x32x1024xf32, #tpu.memory_space<vmem>>
    %dma_wait3A_730 = tpu.memref_squeeze %dma_wait3A_729 : memref<1x32x1024xf32, #tpu.memory_space<vmem>> -> memref<32x1024xf32, #tpu.memory_space<vmem>>
    %dma_wait3A_731 = arith.constant 0 : i32
    %dma_wait3A_732 = tpu.memref_slice %arg2[%add3A_716, %dma_wait3A_731] : memref<8192x1024xf32, #tpu.memory_space<hbm>> -> memref<32x1024xf32, #tpu.memory_space<hbm>>
    tpu.wait_dma2 semaphore(%dma_wait3A_726 : memref<!tpu.dma_semaphore, #tpu.memory_space<semaphore_mem>>) src(%dma_wait3A_732 : memref<32x1024xf32, #tpu.memory_space<hbm>>) dst(%dma_wait3A_730 : memref<32x1024xf32, #tpu.memory_space<vmem>>)
    %add3A_733 = arith.constant 0 : i32
    %add3A_734 = arith.addi %add3A_733, %mul3A_2 : i32
    %add3A_735 = arith.constant 192 : i32
    %add3A_736 = arith.addi %add3A_734, %add3A_735 : i32
    %dma_start3A_737 = arith.constant 0 : i32
    %dma_start3A_738 = arith.constant 0 : i32
    %dma_start3A_739 = arith.constant 0 : i32
    %dma_start3A_740 = arith.constant 0 : i32
    %dma_start3A_741 = arith.constant 0 : i32
    %dma_start3A_742 = tpu.memref_slice %arg4[%dma_start3A_737, %dma_start3A_740, %dma_start3A_741] : memref<3x32x1024xf32, #tpu.memory_space<vmem>> -> memref<1x32x1024xf32, #tpu.memory_space<vmem>>
    %dma_start3A_743 = tpu.memref_squeeze %dma_start3A_742 : memref<1x32x1024xf32, #tpu.memory_space<vmem>> -> memref<32x1024xf32, #tpu.memory_space<vmem>>
    %dma_start3A_744 = arith.constant 0 : i32
    %dma_start3A_745 = tpu.memref_slice %arg3[%add3A_736, %dma_start3A_744] : memref<16384x1024xf32, #tpu.memory_space<hbm>> -> memref<32x1024xf32, #tpu.memory_space<hbm>>
    %dma_start3A_746 = tpu.memref_slice %arg6[%dma_start3A_738, %dma_start3A_739] : memref<3x2x!tpu.dma_semaphore, #tpu.memory_space<semaphore_mem>> -> memref<1x1x!tpu.dma_semaphore, #tpu.memory_space<semaphore_mem>>
    %dma_start3A_747 = tpu.memref_squeeze %dma_start3A_746 : memref<1x1x!tpu.dma_semaphore, #tpu.memory_space<semaphore_mem>> -> memref<!tpu.dma_semaphore, #tpu.memory_space<semaphore_mem>>
    %dma_start3A_748 = arith.constant 0 : i32
    %dma_start3A_749 = tpu.memref_slice %arg3[%add3A_736, %dma_start3A_748] : memref<16384x1024xf32, #tpu.memory_space<hbm>> -> memref<32x1024xf32, #tpu.memory_space<hbm>>
    %dma_start3A_750 = arith.constant 0 : i32
    %dma_start3A_751 = arith.constant 0 : i32
    %dma_start3A_752 = tpu.memref_slice %arg4[%dma_start3A_737, %dma_start3A_750, %dma_start3A_751] : memref<3x32x1024xf32, #tpu.memory_space<vmem>> -> memref<1x32x1024xf32, #tpu.memory_space<vmem>>
    %dma_start3A_753 = tpu.memref_squeeze %dma_start3A_752 : memref<1x32x1024xf32, #tpu.memory_space<vmem>> -> memref<32x1024xf32, #tpu.memory_space<vmem>>
    tpu.enqueue_dma source(%dma_start3A_753 : memref<32x1024xf32, #tpu.memory_space<vmem>>) target(%dma_start3A_749 : memref<32x1024xf32, #tpu.memory_space<hbm>>) target_semaphore(%dma_start3A_747 : memref<!tpu.dma_semaphore, #tpu.memory_space<semaphore_mem>>)
    %add3A_754 = arith.constant 8192 : i32
    %add3A_755 = arith.addi %add3A_754, %mul3A_2 : i32
    %add3A_756 = arith.constant 192 : i32
    %add3A_757 = arith.addi %add3A_755, %add3A_756 : i32
    %dma_start3A_758 = arith.constant 0 : i32
    %dma_start3A_759 = arith.constant 0 : i32
    %dma_start3A_760 = arith.constant 1 : i32
    %dma_start3A_761 = arith.constant 0 : i32
    %dma_start3A_762 = arith.constant 0 : i32
    %dma_start3A_763 = tpu.memref_slice %arg4[%dma_start3A_758, %dma_start3A_761, %dma_start3A_762] : memref<3x32x1024xf32, #tpu.memory_space<vmem>> -> memref<1x32x1024xf32, #tpu.memory_space<vmem>>
    %dma_start3A_764 = tpu.memref_squeeze %dma_start3A_763 : memref<1x32x1024xf32, #tpu.memory_space<vmem>> -> memref<32x1024xf32, #tpu.memory_space<vmem>>
    %dma_start3A_765 = arith.constant 0 : i32
    %dma_start3A_766 = tpu.memref_slice %arg3[%add3A_757, %dma_start3A_765] : memref<16384x1024xf32, #tpu.memory_space<hbm>> -> memref<32x1024xf32, #tpu.memory_space<hbm>>
    %dma_start3A_767 = tpu.memref_slice %arg6[%dma_start3A_759, %dma_start3A_760] : memref<3x2x!tpu.dma_semaphore, #tpu.memory_space<semaphore_mem>> -> memref<1x1x!tpu.dma_semaphore, #tpu.memory_space<semaphore_mem>>
    %dma_start3A_768 = tpu.memref_squeeze %dma_start3A_767 : memref<1x1x!tpu.dma_semaphore, #tpu.memory_space<semaphore_mem>> -> memref<!tpu.dma_semaphore, #tpu.memory_space<semaphore_mem>>
    %dma_start3A_769 = arith.constant 0 : i32
    %dma_start3A_770 = tpu.memref_slice %arg3[%add3A_757, %dma_start3A_769] : memref<16384x1024xf32, #tpu.memory_space<hbm>> -> memref<32x1024xf32, #tpu.memory_space<hbm>>
    %dma_start3A_771 = arith.constant 0 : i32
    %dma_start3A_772 = arith.constant 0 : i32
    %dma_start3A_773 = tpu.memref_slice %arg4[%dma_start3A_758, %dma_start3A_771, %dma_start3A_772] : memref<3x32x1024xf32, #tpu.memory_space<vmem>> -> memref<1x32x1024xf32, #tpu.memory_space<vmem>>
    %dma_start3A_774 = tpu.memref_squeeze %dma_start3A_773 : memref<1x32x1024xf32, #tpu.memory_space<vmem>> -> memref<32x1024xf32, #tpu.memory_space<vmem>>
    tpu.enqueue_dma source(%dma_start3A_774 : memref<32x1024xf32, #tpu.memory_space<vmem>>) target(%dma_start3A_770 : memref<32x1024xf32, #tpu.memory_space<hbm>>) target_semaphore(%dma_start3A_768 : memref<!tpu.dma_semaphore, #tpu.memory_space<semaphore_mem>>)
    %add3A_775 = arith.constant 224 : i32
    %add3A_776 = arith.addi %mul3A_2, %add3A_775 : i32
    %dma_wait3A_777 = arith.constant 1 : i32
    %dma_wait3A_778 = arith.constant 1 : i32
    %dma_wait3A_779 = arith.constant 0 : i32
    %dma_wait3A_780 = arith.constant 0 : i32
    %dma_wait3A_781 = tpu.memref_slice %arg4[%dma_wait3A_777, %dma_wait3A_779, %dma_wait3A_780] : memref<3x32x1024xf32, #tpu.memory_space<vmem>> -> memref<1x32x1024xf32, #tpu.memory_space<vmem>>
    %dma_wait3A_782 = tpu.memref_squeeze %dma_wait3A_781 : memref<1x32x1024xf32, #tpu.memory_space<vmem>> -> memref<32x1024xf32, #tpu.memory_space<vmem>>
    %dma_wait3A_783 = arith.constant 0 : i32
    %dma_wait3A_784 = tpu.memref_slice %arg2[%add3A_776, %dma_wait3A_783] : memref<8192x1024xf32, #tpu.memory_space<hbm>> -> memref<32x1024xf32, #tpu.memory_space<hbm>>
    %dma_wait3A_785 = tpu.memref_slice %arg5[%dma_wait3A_778] : memref<3x!tpu.dma_semaphore, #tpu.memory_space<semaphore_mem>> -> memref<1x!tpu.dma_semaphore, #tpu.memory_space<semaphore_mem>>
    %dma_wait3A_786 = tpu.memref_squeeze %dma_wait3A_785 : memref<1x!tpu.dma_semaphore, #tpu.memory_space<semaphore_mem>> -> memref<!tpu.dma_semaphore, #tpu.memory_space<semaphore_mem>>
    %dma_wait3A_787 = arith.constant 0 : i32
    %dma_wait3A_788 = arith.constant 0 : i32
    %dma_wait3A_789 = tpu.memref_slice %arg4[%dma_wait3A_777, %dma_wait3A_787, %dma_wait3A_788] : memref<3x32x1024xf32, #tpu.memory_space<vmem>> -> memref<1x32x1024xf32, #tpu.memory_space<vmem>>
    %dma_wait3A_790 = tpu.memref_squeeze %dma_wait3A_789 : memref<1x32x1024xf32, #tpu.memory_space<vmem>> -> memref<32x1024xf32, #tpu.memory_space<vmem>>
    %dma_wait3A_791 = arith.constant 0 : i32
    %dma_wait3A_792 = tpu.memref_slice %arg2[%add3A_776, %dma_wait3A_791] : memref<8192x1024xf32, #tpu.memory_space<hbm>> -> memref<32x1024xf32, #tpu.memory_space<hbm>>
    tpu.wait_dma2 semaphore(%dma_wait3A_786 : memref<!tpu.dma_semaphore, #tpu.memory_space<semaphore_mem>>) src(%dma_wait3A_792 : memref<32x1024xf32, #tpu.memory_space<hbm>>) dst(%dma_wait3A_790 : memref<32x1024xf32, #tpu.memory_space<vmem>>)
    %add3A_793 = arith.constant 0 : i32
    %add3A_794 = arith.addi %add3A_793, %mul3A_2 : i32
    %add3A_795 = arith.constant 224 : i32
    %add3A_796 = arith.addi %add3A_794, %add3A_795 : i32
    %dma_start3A_797 = arith.constant 1 : i32
    %dma_start3A_798 = arith.constant 1 : i32
    %dma_start3A_799 = arith.constant 0 : i32
    %dma_start3A_800 = arith.constant 0 : i32
    %dma_start3A_801 = arith.constant 0 : i32
    %dma_start3A_802 = tpu.memref_slice %arg4[%dma_start3A_797, %dma_start3A_800, %dma_start3A_801] : memref<3x32x1024xf32, #tpu.memory_space<vmem>> -> memref<1x32x1024xf32, #tpu.memory_space<vmem>>
    %dma_start3A_803 = tpu.memref_squeeze %dma_start3A_802 : memref<1x32x1024xf32, #tpu.memory_space<vmem>> -> memref<32x1024xf32, #tpu.memory_space<vmem>>
    %dma_start3A_804 = arith.constant 0 : i32
    %dma_start3A_805 = tpu.memref_slice %arg3[%add3A_796, %dma_start3A_804] : memref<16384x1024xf32, #tpu.memory_space<hbm>> -> memref<32x1024xf32, #tpu.memory_space<hbm>>
    %dma_start3A_806 = tpu.memref_slice %arg6[%dma_start3A_798, %dma_start3A_799] : memref<3x2x!tpu.dma_semaphore, #tpu.memory_space<semaphore_mem>> -> memref<1x1x!tpu.dma_semaphore, #tpu.memory_space<semaphore_mem>>
    %dma_start3A_807 = tpu.memref_squeeze %dma_start3A_806 : memref<1x1x!tpu.dma_semaphore, #tpu.memory_space<semaphore_mem>> -> memref<!tpu.dma_semaphore, #tpu.memory_space<semaphore_mem>>
    %dma_start3A_808 = arith.constant 0 : i32
    %dma_start3A_809 = tpu.memref_slice %arg3[%add3A_796, %dma_start3A_808] : memref<16384x1024xf32, #tpu.memory_space<hbm>> -> memref<32x1024xf32, #tpu.memory_space<hbm>>
    %dma_start3A_810 = arith.constant 0 : i32
    %dma_start3A_811 = arith.constant 0 : i32
    %dma_start3A_812 = tpu.memref_slice %arg4[%dma_start3A_797, %dma_start3A_810, %dma_start3A_811] : memref<3x32x1024xf32, #tpu.memory_space<vmem>> -> memref<1x32x1024xf32, #tpu.memory_space<vmem>>
    %dma_start3A_813 = tpu.memref_squeeze %dma_start3A_812 : memref<1x32x1024xf32, #tpu.memory_space<vmem>> -> memref<32x1024xf32, #tpu.memory_space<vmem>>
    tpu.enqueue_dma source(%dma_start3A_813 : memref<32x1024xf32, #tpu.memory_space<vmem>>) target(%dma_start3A_809 : memref<32x1024xf32, #tpu.memory_space<hbm>>) target_semaphore(%dma_start3A_807 : memref<!tpu.dma_semaphore, #tpu.memory_space<semaphore_mem>>)
    %add3A_814 = arith.constant 8192 : i32
    %add3A_815 = arith.addi %add3A_814, %mul3A_2 : i32
    %add3A_816 = arith.constant 224 : i32
    %add3A_817 = arith.addi %add3A_815, %add3A_816 : i32
    %dma_start3A_818 = arith.constant 1 : i32
    %dma_start3A_819 = arith.constant 1 : i32
    %dma_start3A_820 = arith.constant 1 : i32
    %dma_start3A_821 = arith.constant 0 : i32
    %dma_start3A_822 = arith.constant 0 : i32
    %dma_start3A_823 = tpu.memref_slice %arg4[%dma_start3A_818, %dma_start3A_821, %dma_start3A_822] : memref<3x32x1024xf32, #tpu.memory_space<vmem>> -> memref<1x32x1024xf32, #tpu.memory_space<vmem>>
    %dma_start3A_824 = tpu.memref_squeeze %dma_start3A_823 : memref<1x32x1024xf32, #tpu.memory_space<vmem>> -> memref<32x1024xf32, #tpu.memory_space<vmem>>
    %dma_start3A_825 = arith.constant 0 : i32
    %dma_start3A_826 = tpu.memref_slice %arg3[%add3A_817, %dma_start3A_825] : memref<16384x1024xf32, #tpu.memory_space<hbm>> -> memref<32x1024xf32, #tpu.memory_space<hbm>>
    %dma_start3A_827 = tpu.memref_slice %arg6[%dma_start3A_819, %dma_start3A_820] : memref<3x2x!tpu.dma_semaphore, #tpu.memory_space<semaphore_mem>> -> memref<1x1x!tpu.dma_semaphore, #tpu.memory_space<semaphore_mem>>
    %dma_start3A_828 = tpu.memref_squeeze %dma_start3A_827 : memref<1x1x!tpu.dma_semaphore, #tpu.memory_space<semaphore_mem>> -> memref<!tpu.dma_semaphore, #tpu.memory_space<semaphore_mem>>
    %dma_start3A_829 = arith.constant 0 : i32
    %dma_start3A_830 = tpu.memref_slice %arg3[%add3A_817, %dma_start3A_829] : memref<16384x1024xf32, #tpu.memory_space<hbm>> -> memref<32x1024xf32, #tpu.memory_space<hbm>>
    %dma_start3A_831 = arith.constant 0 : i32
    %dma_start3A_832 = arith.constant 0 : i32
    %dma_start3A_833 = tpu.memref_slice %arg4[%dma_start3A_818, %dma_start3A_831, %dma_start3A_832] : memref<3x32x1024xf32, #tpu.memory_space<vmem>> -> memref<1x32x1024xf32, #tpu.memory_space<vmem>>
    %dma_start3A_834 = tpu.memref_squeeze %dma_start3A_833 : memref<1x32x1024xf32, #tpu.memory_space<vmem>> -> memref<32x1024xf32, #tpu.memory_space<vmem>>
    tpu.enqueue_dma source(%dma_start3A_834 : memref<32x1024xf32, #tpu.memory_space<vmem>>) target(%dma_start3A_830 : memref<32x1024xf32, #tpu.memory_space<hbm>>) target_semaphore(%dma_start3A_828 : memref<!tpu.dma_semaphore, #tpu.memory_space<semaphore_mem>>)
    %add3A_835 = arith.constant 0 : i32
    %add3A_836 = arith.addi %add3A_835, %mul3A_2 : i32
    %add3A_837 = arith.constant 160 : i32
    %add3A_838 = arith.addi %add3A_836, %add3A_837 : i32
    %dma_wait3A_839 = arith.constant 2 : i32
    %dma_wait3A_840 = arith.constant 2 : i32
    %dma_wait3A_841 = arith.constant 0 : i32
    %dma_wait3A_842 = arith.constant 0 : i32
    %dma_wait3A_843 = arith.constant 0 : i32
    %dma_wait3A_844 = tpu.memref_slice %arg4[%dma_wait3A_839, %dma_wait3A_842, %dma_wait3A_843] : memref<3x32x1024xf32, #tpu.memory_space<vmem>> -> memref<1x32x1024xf32, #tpu.memory_space<vmem>>
    %dma_wait3A_845 = tpu.memref_squeeze %dma_wait3A_844 : memref<1x32x1024xf32, #tpu.memory_space<vmem>> -> memref<32x1024xf32, #tpu.memory_space<vmem>>
    %dma_wait3A_846 = arith.constant 0 : i32
    %dma_wait3A_847 = tpu.memref_slice %arg3[%add3A_838, %dma_wait3A_846] : memref<16384x1024xf32, #tpu.memory_space<hbm>> -> memref<32x1024xf32, #tpu.memory_space<hbm>>
    %dma_wait3A_848 = tpu.memref_slice %arg6[%dma_wait3A_840, %dma_wait3A_841] : memref<3x2x!tpu.dma_semaphore, #tpu.memory_space<semaphore_mem>> -> memref<1x1x!tpu.dma_semaphore, #tpu.memory_space<semaphore_mem>>
    %dma_wait3A_849 = tpu.memref_squeeze %dma_wait3A_848 : memref<1x1x!tpu.dma_semaphore, #tpu.memory_space<semaphore_mem>> -> memref<!tpu.dma_semaphore, #tpu.memory_space<semaphore_mem>>
    %dma_wait3A_850 = arith.constant 0 : i32
    %dma_wait3A_851 = tpu.memref_slice %arg3[%add3A_838, %dma_wait3A_850] : memref<16384x1024xf32, #tpu.memory_space<hbm>> -> memref<32x1024xf32, #tpu.memory_space<hbm>>
    %dma_wait3A_852 = arith.constant 0 : i32
    %dma_wait3A_853 = arith.constant 0 : i32
    %dma_wait3A_854 = tpu.memref_slice %arg4[%dma_wait3A_839, %dma_wait3A_852, %dma_wait3A_853] : memref<3x32x1024xf32, #tpu.memory_space<vmem>> -> memref<1x32x1024xf32, #tpu.memory_space<vmem>>
    %dma_wait3A_855 = tpu.memref_squeeze %dma_wait3A_854 : memref<1x32x1024xf32, #tpu.memory_space<vmem>> -> memref<32x1024xf32, #tpu.memory_space<vmem>>
    tpu.wait_dma2 semaphore(%dma_wait3A_849 : memref<!tpu.dma_semaphore, #tpu.memory_space<semaphore_mem>>) src(%dma_wait3A_855 : memref<32x1024xf32, #tpu.memory_space<vmem>>) dst(%dma_wait3A_851 : memref<32x1024xf32, #tpu.memory_space<hbm>>)
    %add3A_856 = arith.constant 8192 : i32
    %add3A_857 = arith.addi %add3A_856, %mul3A_2 : i32
    %add3A_858 = arith.constant 160 : i32
    %add3A_859 = arith.addi %add3A_857, %add3A_858 : i32
    %dma_wait3A_860 = arith.constant 2 : i32
    %dma_wait3A_861 = arith.constant 2 : i32
    %dma_wait3A_862 = arith.constant 1 : i32
    %dma_wait3A_863 = arith.constant 0 : i32
    %dma_wait3A_864 = arith.constant 0 : i32
    %dma_wait3A_865 = tpu.memref_slice %arg4[%dma_wait3A_860, %dma_wait3A_863, %dma_wait3A_864] : memref<3x32x1024xf32, #tpu.memory_space<vmem>> -> memref<1x32x1024xf32, #tpu.memory_space<vmem>>
    %dma_wait3A_866 = tpu.memref_squeeze %dma_wait3A_865 : memref<1x32x1024xf32, #tpu.memory_space<vmem>> -> memref<32x1024xf32, #tpu.memory_space<vmem>>
    %dma_wait3A_867 = arith.constant 0 : i32
    %dma_wait3A_868 = tpu.memref_slice %arg3[%add3A_859, %dma_wait3A_867] : memref<16384x1024xf32, #tpu.memory_space<hbm>> -> memref<32x1024xf32, #tpu.memory_space<hbm>>
    %dma_wait3A_869 = tpu.memref_slice %arg6[%dma_wait3A_861, %dma_wait3A_862] : memref<3x2x!tpu.dma_semaphore, #tpu.memory_space<semaphore_mem>> -> memref<1x1x!tpu.dma_semaphore, #tpu.memory_space<semaphore_mem>>
    %dma_wait3A_870 = tpu.memref_squeeze %dma_wait3A_869 : memref<1x1x!tpu.dma_semaphore, #tpu.memory_space<semaphore_mem>> -> memref<!tpu.dma_semaphore, #tpu.memory_space<semaphore_mem>>
    %dma_wait3A_871 = arith.constant 0 : i32
    %dma_wait3A_872 = tpu.memref_slice %arg3[%add3A_859, %dma_wait3A_871] : memref<16384x1024xf32, #tpu.memory_space<hbm>> -> memref<32x1024xf32, #tpu.memory_space<hbm>>
    %dma_wait3A_873 = arith.constant 0 : i32
    %dma_wait3A_874 = arith.constant 0 : i32
    %dma_wait3A_875 = tpu.memref_slice %arg4[%dma_wait3A_860, %dma_wait3A_873, %dma_wait3A_874] : memref<3x32x1024xf32, #tpu.memory_space<vmem>> -> memref<1x32x1024xf32, #tpu.memory_space<vmem>>
    %dma_wait3A_876 = tpu.memref_squeeze %dma_wait3A_875 : memref<1x32x1024xf32, #tpu.memory_space<vmem>> -> memref<32x1024xf32, #tpu.memory_space<vmem>>
    tpu.wait_dma2 semaphore(%dma_wait3A_870 : memref<!tpu.dma_semaphore, #tpu.memory_space<semaphore_mem>>) src(%dma_wait3A_876 : memref<32x1024xf32, #tpu.memory_space<vmem>>) dst(%dma_wait3A_872 : memref<32x1024xf32, #tpu.memory_space<hbm>>)
    %add3A_877 = arith.constant 0 : i32
    %add3A_878 = arith.addi %add3A_877, %mul3A_2 : i32
    %add3A_879 = arith.constant 192 : i32
    %add3A_880 = arith.addi %add3A_878, %add3A_879 : i32
    %dma_wait3A_881 = arith.constant 0 : i32
    %dma_wait3A_882 = arith.constant 0 : i32
    %dma_wait3A_883 = arith.constant 0 : i32
    %dma_wait3A_884 = arith.constant 0 : i32
    %dma_wait3A_885 = arith.constant 0 : i32
    %dma_wait3A_886 = tpu.memref_slice %arg4[%dma_wait3A_881, %dma_wait3A_884, %dma_wait3A_885] : memref<3x32x1024xf32, #tpu.memory_space<vmem>> -> memref<1x32x1024xf32, #tpu.memory_space<vmem>>
    %dma_wait3A_887 = tpu.memref_squeeze %dma_wait3A_886 : memref<1x32x1024xf32, #tpu.memory_space<vmem>> -> memref<32x1024xf32, #tpu.memory_space<vmem>>
    %dma_wait3A_888 = arith.constant 0 : i32
    %dma_wait3A_889 = tpu.memref_slice %arg3[%add3A_880, %dma_wait3A_888] : memref<16384x1024xf32, #tpu.memory_space<hbm>> -> memref<32x1024xf32, #tpu.memory_space<hbm>>
    %dma_wait3A_890 = tpu.memref_slice %arg6[%dma_wait3A_882, %dma_wait3A_883] : memref<3x2x!tpu.dma_semaphore, #tpu.memory_space<semaphore_mem>> -> memref<1x1x!tpu.dma_semaphore, #tpu.memory_space<semaphore_mem>>
    %dma_wait3A_891 = tpu.memref_squeeze %dma_wait3A_890 : memref<1x1x!tpu.dma_semaphore, #tpu.memory_space<semaphore_mem>> -> memref<!tpu.dma_semaphore, #tpu.memory_space<semaphore_mem>>
    %dma_wait3A_892 = arith.constant 0 : i32
    %dma_wait3A_893 = tpu.memref_slice %arg3[%add3A_880, %dma_wait3A_892] : memref<16384x1024xf32, #tpu.memory_space<hbm>> -> memref<32x1024xf32, #tpu.memory_space<hbm>>
    %dma_wait3A_894 = arith.constant 0 : i32
    %dma_wait3A_895 = arith.constant 0 : i32
    %dma_wait3A_896 = tpu.memref_slice %arg4[%dma_wait3A_881, %dma_wait3A_894, %dma_wait3A_895] : memref<3x32x1024xf32, #tpu.memory_space<vmem>> -> memref<1x32x1024xf32, #tpu.memory_space<vmem>>
    %dma_wait3A_897 = tpu.memref_squeeze %dma_wait3A_896 : memref<1x32x1024xf32, #tpu.memory_space<vmem>> -> memref<32x1024xf32, #tpu.memory_space<vmem>>
    tpu.wait_dma2 semaphore(%dma_wait3A_891 : memref<!tpu.dma_semaphore, #tpu.memory_space<semaphore_mem>>) src(%dma_wait3A_897 : memref<32x1024xf32, #tpu.memory_space<vmem>>) dst(%dma_wait3A_893 : memref<32x1024xf32, #tpu.memory_space<hbm>>)
    %add3A_898 = arith.constant 8192 : i32
    %add3A_899 = arith.addi %add3A_898, %mul3A_2 : i32
    %add3A_900 = arith.constant 192 : i32
    %add3A_901 = arith.addi %add3A_899, %add3A_900 : i32
    %dma_wait3A_902 = arith.constant 0 : i32
    %dma_wait3A_903 = arith.constant 0 : i32
    %dma_wait3A_904 = arith.constant 1 : i32
    %dma_wait3A_905 = arith.constant 0 : i32
    %dma_wait3A_906 = arith.constant 0 : i32
    %dma_wait3A_907 = tpu.memref_slice %arg4[%dma_wait3A_902, %dma_wait3A_905, %dma_wait3A_906] : memref<3x32x1024xf32, #tpu.memory_space<vmem>> -> memref<1x32x1024xf32, #tpu.memory_space<vmem>>
    %dma_wait3A_908 = tpu.memref_squeeze %dma_wait3A_907 : memref<1x32x1024xf32, #tpu.memory_space<vmem>> -> memref<32x1024xf32, #tpu.memory_space<vmem>>
    %dma_wait3A_909 = arith.constant 0 : i32
    %dma_wait3A_910 = tpu.memref_slice %arg3[%add3A_901, %dma_wait3A_909] : memref<16384x1024xf32, #tpu.memory_space<hbm>> -> memref<32x1024xf32, #tpu.memory_space<hbm>>
    %dma_wait3A_911 = tpu.memref_slice %arg6[%dma_wait3A_903, %dma_wait3A_904] : memref<3x2x!tpu.dma_semaphore, #tpu.memory_space<semaphore_mem>> -> memref<1x1x!tpu.dma_semaphore, #tpu.memory_space<semaphore_mem>>
    %dma_wait3A_912 = tpu.memref_squeeze %dma_wait3A_911 : memref<1x1x!tpu.dma_semaphore, #tpu.memory_space<semaphore_mem>> -> memref<!tpu.dma_semaphore, #tpu.memory_space<semaphore_mem>>
    %dma_wait3A_913 = arith.constant 0 : i32
    %dma_wait3A_914 = tpu.memref_slice %arg3[%add3A_901, %dma_wait3A_913] : memref<16384x1024xf32, #tpu.memory_space<hbm>> -> memref<32x1024xf32, #tpu.memory_space<hbm>>
    %dma_wait3A_915 = arith.constant 0 : i32
    %dma_wait3A_916 = arith.constant 0 : i32
    %dma_wait3A_917 = tpu.memref_slice %arg4[%dma_wait3A_902, %dma_wait3A_915, %dma_wait3A_916] : memref<3x32x1024xf32, #tpu.memory_space<vmem>> -> memref<1x32x1024xf32, #tpu.memory_space<vmem>>
    %dma_wait3A_918 = tpu.memref_squeeze %dma_wait3A_917 : memref<1x32x1024xf32, #tpu.memory_space<vmem>> -> memref<32x1024xf32, #tpu.memory_space<vmem>>
    tpu.wait_dma2 semaphore(%dma_wait3A_912 : memref<!tpu.dma_semaphore, #tpu.memory_space<semaphore_mem>>) src(%dma_wait3A_918 : memref<32x1024xf32, #tpu.memory_space<vmem>>) dst(%dma_wait3A_914 : memref<32x1024xf32, #tpu.memory_space<hbm>>)
    %add3A_919 = arith.constant 0 : i32
    %add3A_920 = arith.addi %add3A_919, %mul3A_2 : i32
    %add3A_921 = arith.constant 224 : i32
    %add3A_922 = arith.addi %add3A_920, %add3A_921 : i32
    %dma_wait3A_923 = arith.constant 1 : i32
    %dma_wait3A_924 = arith.constant 1 : i32
    %dma_wait3A_925 = arith.constant 0 : i32
    %dma_wait3A_926 = arith.constant 0 : i32
    %dma_wait3A_927 = arith.constant 0 : i32
    %dma_wait3A_928 = tpu.memref_slice %arg4[%dma_wait3A_923, %dma_wait3A_926, %dma_wait3A_927] : memref<3x32x1024xf32, #tpu.memory_space<vmem>> -> memref<1x32x1024xf32, #tpu.memory_space<vmem>>
    %dma_wait3A_929 = tpu.memref_squeeze %dma_wait3A_928 : memref<1x32x1024xf32, #tpu.memory_space<vmem>> -> memref<32x1024xf32, #tpu.memory_space<vmem>>
    %dma_wait3A_930 = arith.constant 0 : i32
    %dma_wait3A_931 = tpu.memref_slice %arg3[%add3A_922, %dma_wait3A_930] : memref<16384x1024xf32, #tpu.memory_space<hbm>> -> memref<32x1024xf32, #tpu.memory_space<hbm>>
    %dma_wait3A_932 = tpu.memref_slice %arg6[%dma_wait3A_924, %dma_wait3A_925] : memref<3x2x!tpu.dma_semaphore, #tpu.memory_space<semaphore_mem>> -> memref<1x1x!tpu.dma_semaphore, #tpu.memory_space<semaphore_mem>>
    %dma_wait3A_933 = tpu.memref_squeeze %dma_wait3A_932 : memref<1x1x!tpu.dma_semaphore, #tpu.memory_space<semaphore_mem>> -> memref<!tpu.dma_semaphore, #tpu.memory_space<semaphore_mem>>
    %dma_wait3A_934 = arith.constant 0 : i32
    %dma_wait3A_935 = tpu.memref_slice %arg3[%add3A_922, %dma_wait3A_934] : memref<16384x1024xf32, #tpu.memory_space<hbm>> -> memref<32x1024xf32, #tpu.memory_space<hbm>>
    %dma_wait3A_936 = arith.constant 0 : i32
    %dma_wait3A_937 = arith.constant 0 : i32
    %dma_wait3A_938 = tpu.memref_slice %arg4[%dma_wait3A_923, %dma_wait3A_936, %dma_wait3A_937] : memref<3x32x1024xf32, #tpu.memory_space<vmem>> -> memref<1x32x1024xf32, #tpu.memory_space<vmem>>
    %dma_wait3A_939 = tpu.memref_squeeze %dma_wait3A_938 : memref<1x32x1024xf32, #tpu.memory_space<vmem>> -> memref<32x1024xf32, #tpu.memory_space<vmem>>
    tpu.wait_dma2 semaphore(%dma_wait3A_933 : memref<!tpu.dma_semaphore, #tpu.memory_space<semaphore_mem>>) src(%dma_wait3A_939 : memref<32x1024xf32, #tpu.memory_space<vmem>>) dst(%dma_wait3A_935 : memref<32x1024xf32, #tpu.memory_space<hbm>>)
    %add3A_940 = arith.constant 8192 : i32
    %add3A_941 = arith.addi %add3A_940, %mul3A_2 : i32
    %add3A_942 = arith.constant 224 : i32
    %add3A_943 = arith.addi %add3A_941, %add3A_942 : i32
    %dma_wait3A_944 = arith.constant 1 : i32
    %dma_wait3A_945 = arith.constant 1 : i32
    %dma_wait3A_946 = arith.constant 1 : i32
    %dma_wait3A_947 = arith.constant 0 : i32
    %dma_wait3A_948 = arith.constant 0 : i32
    %dma_wait3A_949 = tpu.memref_slice %arg4[%dma_wait3A_944, %dma_wait3A_947, %dma_wait3A_948] : memref<3x32x1024xf32, #tpu.memory_space<vmem>> -> memref<1x32x1024xf32, #tpu.memory_space<vmem>>
    %dma_wait3A_950 = tpu.memref_squeeze %dma_wait3A_949 : memref<1x32x1024xf32, #tpu.memory_space<vmem>> -> memref<32x1024xf32, #tpu.memory_space<vmem>>
    %dma_wait3A_951 = arith.constant 0 : i32
    %dma_wait3A_952 = tpu.memref_slice %arg3[%add3A_943, %dma_wait3A_951] : memref<16384x1024xf32, #tpu.memory_space<hbm>> -> memref<32x1024xf32, #tpu.memory_space<hbm>>
    %dma_wait3A_953 = tpu.memref_slice %arg6[%dma_wait3A_945, %dma_wait3A_946] : memref<3x2x!tpu.dma_semaphore, #tpu.memory_space<semaphore_mem>> -> memref<1x1x!tpu.dma_semaphore, #tpu.memory_space<semaphore_mem>>
    %dma_wait3A_954 = tpu.memref_squeeze %dma_wait3A_953 : memref<1x1x!tpu.dma_semaphore, #tpu.memory_space<semaphore_mem>> -> memref<!tpu.dma_semaphore, #tpu.memory_space<semaphore_mem>>
    %dma_wait3A_955 = arith.constant 0 : i32
    %dma_wait3A_956 = tpu.memref_slice %arg3[%add3A_943, %dma_wait3A_955] : memref<16384x1024xf32, #tpu.memory_space<hbm>> -> memref<32x1024xf32, #tpu.memory_space<hbm>>
    %dma_wait3A_957 = arith.constant 0 : i32
    %dma_wait3A_958 = arith.constant 0 : i32
    %dma_wait3A_959 = tpu.memref_slice %arg4[%dma_wait3A_944, %dma_wait3A_957, %dma_wait3A_958] : memref<3x32x1024xf32, #tpu.memory_space<vmem>> -> memref<1x32x1024xf32, #tpu.memory_space<vmem>>
    %dma_wait3A_960 = tpu.memref_squeeze %dma_wait3A_959 : memref<1x32x1024xf32, #tpu.memory_space<vmem>> -> memref<32x1024xf32, #tpu.memory_space<vmem>>
    tpu.wait_dma2 semaphore(%dma_wait3A_954 : memref<!tpu.dma_semaphore, #tpu.memory_space<semaphore_mem>>) src(%dma_wait3A_960 : memref<32x1024xf32, #tpu.memory_space<vmem>>) dst(%dma_wait3A_956 : memref<32x1024xf32, #tpu.memory_space<hbm>>)
    return
  }
}

</mosaic_0001>

<sc_bundles>
// kernel: kernel.3.cloned.1.call-start
scs
__scs_entry_jumppad:
0x0: {  	(pc) =	sbr.rel $0x88, $3  }
0x1: {  	(tag) =	ssettag $0x0;
	lr =	simm.s32 $0x1  }
0x2: {  	[smem:$0x3FA0] =	sst lr;
	_ =	strace $0xD0000000  }
0x3: {  	_ = 	snop  }
0x4: {  	_ = 	snop  }
0x5: {  	_ = 	snop  }
0x6: {  	_ = 	snop  }
0x7: {  	_ = 	snop  }
__scs_overlays_trampoline_lowered:
0x8: {  	[smem:$0x3FAF] =	sst s0  }
0x9: {  	[smem:$0x3FB0] =	sst s1  }
0xa: {  	[smem:$0x3FB1] =	sst s2  }
0xb: {  	[smem:$0x3FB2] =	sst s3  }
0xc: {  	[smem:$0x3FB3] =	sst s4  }
0xd: {  	[smem:$0x3FB4] =	sst s5  }
0xe: {  	[smem:$0x3FB5] =	sst s6  }
0xf: {  	[smem:$0x3FB6] =	sst s7  }
0x10: {  	[smem:$0x3FB7] =	sst s8  }
0x11: {  	[smem:$0x3FB8] =	sst s9;
	s0 =	simm.s32 @!p0 $0x0  }
0x12: {  	s1 =	sld [smem:$0x3F9E];
	s0 =	simm.s32 @p0 $0x1  }
0x13: {  	[smem:$0x3FB9] =	sst s0;
	s0 =	simm.s32 @!p1 $0x0  }
0x14: {  	s2 =	sld [smem:$0x3F9D];
	s0 =	simm.s32 @p1 $0x1  }
0x15: {  	[smem:$0x3FBA] =	sst s0;
	s0 =	simm.s32 @!p2 $0x0  }
0x16: {  	s3 =	sld [smem:$0x3FDB];
	s0 =	simm.s32 @p2 $0x1  }
0x17: {  	s4 =	simm.s32 $0x1BF5;
	[smem:$0x3FBC] =	sst s0  }
0x18: {  	s0 =	sld [smem:$0x3F9F];
	_ =	swait.ge [sflag:s4], $0x0  }
0x19: {  	s7 =	sld [smem:$0x3FA0]  }
0x1a: {  	s8 =	sadd.s32 $0xFFFFE003, lr  }
0x1b: {  	s9 =	sadd.s32 $0xFFFFFEF7, lr;
	s5 =	simm.s32 $0xFFFFFFFF;
	p2 =	slt.u32 s8, $0xFFFFF086  }
0x1c: {  	p1 =	slt.u32 s9, $0xF7A;
	s5 =	simm.s32 @!p2 $0x0  }
0x1d: {  	s5 =	simm.s32 @p1 $0x1;
	p0 =	seq.s32 s7, s2  }
0x1e: {  	s7 =	smul.u32 @!p0 $0xF7A, s2;
	p2 =	seq.s32 @!p0 s5, $0x0  }
0x1f: {  	s9 =	smul.u32 $0xF7A, s1;
	s8 =	simm.s32 @!p0 $0x1BF5;
	p2 =	por !p2, p0  }
0x20: {  	[sflag:s8] =	ssyncset.s32 @!p0 $0xFFFFF086;
	s6 =	sadd.s32 @!p0 s3, s7;
	s7 =	simm.s32 @!p0 $0x108  }
0x21: {  	s3 =	sadd.s32 s3, s9;
	s6 =	sadd.s32 @!p0 $0x88, s6;
	s7 =	simm.s32 @p2 $0x1082  }
0x22: {  	[simem:s7], [sflag:s8] =	dma.local @!p0 [hbm:s6], $0xF7A  }
0x23: {  	s9 =	sor.u32 $0xD0000000, s2;
	s6 =	simm.s32 $0x108;
	_ =	swait.ge @!p0 [sflag:s8], $0x0  }
0x24: {  	s3 =	sadd.s32 $0x88, s3;
	s6 =	simm.s32 @!p1 $0x1082;
	[sflag:s4] =	ssyncset.s32 $0xFFFFF086  }
0x25: {  	[simem:s6], [sflag:s4] =	dma.local [hbm:s3], $0xF7A  }
0x26: {  	[smem:$0x3FA0] =	sst s1;
	(tag) =	ssettag s2;
	_ =	strace s9  }
0x27: {  	s1 =	sld [smem:$0x3FB0]  }
0x28: {  	s2 =	sld [smem:$0x3FB1]  }
0x29: {  	s4 =	sld [smem:$0x3FB3]  }
0x2a: {  	p0 =	seq.s32 s5, $0x0;
	s5 =	sld [smem:$0x3FB4]  }
0x2b: {  	s6 =	sld [smem:$0x3FB5]  }
0x2c: {  	s7 =	sld [smem:$0x3FB6]  }
0x2d: {  	s3 =	simm.s32 $0x108;
	s8 =	sld [smem:$0x3FB7]  }
0x2e: {  	s3 =	simm.s32 @!p0 $0x1082;
	s9 =	sld [smem:$0x3FB8]  }
0x2f: {  	lr =	sadd.s32 s0, s3;
	s0 =	sld [smem:$0x3FAF]  }
0x30: {  	s3 =	sld [smem:$0x3FB2]  }
0x31: {  	[smem:$0x3FBB] =	sst s10  }
0x32: {  	s10 =	sld [smem:$0x3FB9];
	_ =	sdelay $0x3  }
0x33: {  	p0 =	seq.s32 s10, $0x1;
	s10 =	sld [smem:$0x3FBB];
	_ =	sdelay $0x3  }
0x34: {  	[smem:$0x3FBB] =	sst s10  }
0x35: {  	s10 =	sld [smem:$0x3FBA];
	_ =	sdelay $0x3  }
0x36: {  	p1 =	seq.s32 s10, $0x1;
	s10 =	sld [smem:$0x3FBB];
	_ =	sdelay $0x3  }
0x37: {  	[smem:$0x3FBB] =	sst s10  }
0x38: {  	s10 =	sld [smem:$0x3FBC]  }
0x39: {  	_ = 	snop;
	(pc) =	sbr.ind lr, $3  }
0x3a: {  	_ = 	snop  }
0x3b: {  	_ = 	snop  }
0x3c: {  	p2 =	seq.s32 s10, $0x1;
	s10 =	sld [smem:$0x3FBB]  }
0x3d: {  	_ =	shalt  }
0x3e: {  	_ =	shalt  }
0x3f: {  	_ =	shalt  }
0x40: {  	_ =	shalt  }
0x41: {  	_ =	shalt  }
0x42: {  	_ =	shalt  }
0x43: {  	_ =	shalt  }
0x44: {  	_ =	shalt  }
0x45: {  	_ =	shalt  }
0x46: {  	_ =	shalt  }
0x47: {  	_ =	shalt  }
0x48: {  	_ =	shalt  }
0x49: {  	_ =	shalt  }
0x4a: {  	_ =	shalt  }
0x4b: {  	_ =	shalt  }
0x4c: {  	_ =	shalt  }
0x4d: {  	_ =	shalt  }
0x4e: {  	_ =	shalt  }
0x4f: {  	_ =	shalt  }
0x50: {  	_ =	shalt  }
0x51: {  	_ =	shalt  }
0x52: {  	_ =	shalt  }
0x53: {  	_ =	shalt  }
0x54: {  	_ =	shalt  }
0x55: {  	_ =	shalt  }
0x56: {  	_ =	shalt  }
0x57: {  	_ =	shalt  }
0x58: {  	_ =	shalt  }
0x59: {  	_ =	shalt  }
0x5a: {  	_ =	shalt  }
0x5b: {  	_ =	shalt  }
0x5c: {  	_ =	shalt  }
0x5d: {  	_ =	shalt  }
0x5e: {  	_ =	shalt  }
0x5f: {  	_ =	shalt  }
0x60: {  	_ =	shalt  }
0x61: {  	_ =	shalt  }
0x62: {  	_ =	shalt  }
0x63: {  	_ =	shalt  }
0x64: {  	_ =	shalt  }
0x65: {  	_ =	shalt  }
0x66: {  	_ =	shalt  }
0x67: {  	_ =	shalt  }
0x68: {  	_ =	shalt  }
0x69: {  	_ =	shalt  }
0x6a: {  	_ =	shalt  }
0x6b: {  	_ =	shalt  }
0x6c: {  	_ =	shalt  }
0x6d: {  	_ =	shalt  }
0x6e: {  	_ =	shalt  }
0x6f: {  	_ =	shalt  }
0x70: {  	_ =	shalt  }
0x71: {  	_ =	shalt  }
0x72: {  	_ =	shalt  }
0x73: {  	_ =	shalt  }
0x74: {  	_ =	shalt  }
0x75: {  	_ =	shalt  }
0x76: {  	_ =	shalt  }
0x77: {  	_ =	shalt  }
0x78: {  	_ =	shalt  }
0x79: {  	_ =	shalt  }
0x7a: {  	_ =	shalt  }
0x7b: {  	_ =	shalt  }
0x7c: {  	_ =	shalt  }
0x7d: {  	_ =	shalt  }
0x7e: {  	_ =	shalt  }
0x7f: {  	_ =	shalt  }
0x80: {  	_ =	shalt  }
0x81: {  	_ =	shalt  }
0x82: {  	_ =	shalt  }
0x83: {  	_ =	shalt  }
0x84: {  	_ =	shalt  }
0x85: {  	_ =	shalt  }
0x86: {  	_ =	shalt  }
0x87: {  	_ =	shalt  }
.Lfunc_end0:
.L_simem_size_0:
called_computation_lowered:
.L_overlay_start_0:
0x88: {  	s2 =	sld [smem:$0x3FD9]  }
0x89: {  	s3 =	sld [smem:$0x3FFE];
	_ =	sdelay $0x1  }
0x8a: {  	s1 =	srdreg.scid  }
0x8b: {  	s0 =	sand.u32 $0x1, s1  }
0x8c: {  	s18 =	sshll.u32 s0, $0xA;
	s2 =	sadd.s32 s3, s2  }
0x8d: {  	s2 =	sadd.s32 s2, s18  }
0x8e: {  	[smem:$0x3FC7] =	sst s2  }
0x8f: {  	_ = 	snop  }
0x90: {  	s2 =	sld [smem:$0x3FC9]  }
0x91: {  	s19 =	sld [smem:$0x3FD0];
	(tm) =	ssettm $0x1  }
0x92: {  	s4 =	sld [smem:$0x3FFB];
	_ =	sdelay $0x3  }
0x93: {  	_ =	strace s4  }
0x94: {  	s4 =	sld [smem:$0x3FFC];
	_ =	sdelay $0x3  }
0x95: {  	_ =	strace s4  }
0x96: {  	s4 =	sld [smem:$0x3FFD];
	_ =	sdelay $0x3  }
0x97: {  	_ =	strace s4  }
0x98: {  	_ =	strace $0x8FFFFFFF  }
0x99: {  	s20 =	sld [smem:$0x3FDB];
	_ =	sdelay $0x1  }
0x9a: {  	s5 =	simm.s32 $_scs_section_size  }
0x9b: {  	s6 =	simm.s32 $_size__tile_overlayer_lowered;
	s7 =	simm.s32 $_tile_overlayer_lowered  }
0x9c: {  	s23 =	simm.s32 $0x1BFF;
	s22 =	sshll.u32 s7, $0x1;
	s4 =	sadd.s32 s5, s20  }
0x9d: {  	s8 =	simm.s32 $0x0;
	s21 =	sshll.u32 s6, $0x1;
	s6 =	sadd.s32 s22, s4  }
0x9e: {  	[timem:s8], [sflag:s23] =	dma.local [hbm:s6], s21  }
0x9f: {  	_ =	swait.ge [sflag:s23], s21  }
0xa0: {  	s5 =	ssub.s32 $0x0, s21;
	[sflag:s23] =	ssyncset.done $0x0  }
0xa1: {  	[sflag:s23] =	ssyncadd.s32 s5;
	_ =	sdelay $0x1  }
0xa2: {  	s24 =	simm.s32 $0x1B8B  }
0xa3: {  	_ =	swait.ge [sflag:s24], $0x1  }
0xa4: {  	[sflag:s24] =	ssyncset.done $0x0  }
0xa5: {  	s25 =	simm.s32 $0x1B8E;
	[sflag:s24] =	ssyncadd.s32 $0xFFFFFFFF  }
0xa6: {  	s26 =	simm.s32 $execute0_lowered;
	[smem:$0x3FD2] =	sst s25  }
0xa7: {  	s5 =	sshll.u32 s26, $0x1;
	_ =	strace $0x80000046;
	[dreg:$0x1] =	wrdreg $0xFFFFFFFF  }
0xa8: {  	s28 =	simm.s32 $_size_execute0_lowered;
	s4 =	sadd.s32 s4, s5;
	[dreg:$0x0] =	wrdreg $0x0  }
0xa9: {  	s5 =	sshll.u32 s28, $0x1;
	[dreg:$0x2] =	wrdreg s4  }
0xaa: {  	[dreg:$0x3] =	wrdreg s5  }
0xab: {  	[dreg:$0x4] =	wrdreg $0xC0  }
0xac: {  	_ =	task [dreg:s8], $0x5FFFF  }
0xad: {  	[dreg:$0x1] =	wrdreg $0xFFFFFFFF  }
0xae: {  	[dreg:$0x0] =	wrdreg $0x60  }
0xaf: {  	[dreg:$0x2] =	wrdreg s2  }
0xb0: {  	[dreg:$0x3] =	wrdreg s19  }
0xb1: {  	[dreg:$0x4] =	wrdreg $0x9  }
0xb2: {  	_ =	task.clear_ibuf [dreg:s8], $0x5FFFF;
	_ =	strace $0x90000046  }
0xb3: {  	s29 =	simm.s32 $0x9;
	_ =	strace $0x80000048  }
0xb4: {  	_ =	swait.ge [sflag:s29], $0x1  }
0xb5: {  	[sflag:s29] =	ssyncadd.s32 $0xFFFFFFFF  }
0xb6: {  	_ =	strace $0x90000048  }
0xb7: {  	_ =	sfence  }
0xb8: {  	s30 =	sld [smem:$0x0];
	_ =	sdelay $0x2  }
0xb9: {  	s31 =	sshll.u32 s1, $0xD;
	s1 =	sshrl.u32 s1, $0x2  }
0xba: {  	s3 =	sand.u32 $0x4000, s31;
	s1 =	sadd.s32 s1, s30  }
0xbb: {  	s0 =	sor.u32 s3, s0;
	s1 =	sshll.u32 s1, $0x11  }
0xbc: {  	s0 =	sor.u32 s1, s0  }
0xbd: {  	s0 =	sadd.s32 $0x8F2B, s0  }
0xbe: {  	[sflag:s0] =	ssyncadd.remote.s32 $0x1  }
0xbf: {  	_ =	sfence.sel $0xFFFF  }
0xc0: {  	[dreg:$0x0] =	wrdreg $0xFFFFFFFF;
	(pc) =	sbr.abs _section_cstart, $3  }
0xc1: {  	[dreg:$0x1] =	wrdreg $0xFFFFFFFF  }
0xc2: {  	_ =	task.clear_ibuf [dreg:s8], $0x2FFFF;
	_ =	strace $0x9FFFFFFF  }
0xc3: {  	(tm) =	ssettm $0x7FFFFFFF  }
tec
execute0_lowered:
.L_overlay_start_1:
0x0: {  	(tag) =	ssettag $0x1  }
0x1: {  	s0 =	rddreg [dreg:$0x0]  }
0x2: {  	s1 =	rddreg [dreg:$0x1];
	s3 =	srdreg.scid  }
0x3: {  	s2 =	simm.s32 $0x0;
	s4 =	stileid.u32;
	s3 =	sand.u32 $0x1, s3  }
0x4: {  	p0 =	por $0x0, $0x0;
	s4 =	sshll.u32 s4, $0x10;
	s5 =	sshll.u32 s3, $0xF  }
0x5: {  	[smem:$0x7FF] =	sst s2;
	s3 =	ssub.s32 $0x2, s3;
	s4 =	sor.u32 s5, s4  }
0x6: {  	_ =	strace $0x80000047;
	s9 =	sshrl.u32 s3, $0x1;
	s5 =	sadd.s32 s0, s4  }
0x7: {  	s6 =	sor.u32 $0x1000, s4;
	s7 =	sor.u32 $0x2000, s4;
	s31 =	sadd.s32 s1, s4  }
0x8: {  	s8 =	sor.u32 $0x3000, s4;
	s3 =	ssub.s32 s3, s9;
	s17 =	sor.u32 $0x4000, s4  }
0x9: {  	s18 =	sor.u32 $0x5000, s4;
	s19 =	sor.u32 $0x6000, s4;
	s4 =	sor.u32 $0x7000, s4  }
0xa: {  	s9 =	simm.s32 $0x8000;
	[dreg:$0x3] =	wrdreg s5;
	s11 =	sadd.s32 s0, s6  }
0xb: {  	s12 =	sadd.s32 s0, s7;
	s13 =	sadd.s32 $0x100000, s31;
	s14 =	sadd.s32 s0, s8  }
0xc: {  	s15 =	sadd.s32 s1, s6;
	s16 =	sadd.s32 $0x101000, s31;
	s30 =	sadd.s32 s0, s17  }
0xd: {  	s28 =	sadd.s32 s1, s7;
	s29 =	sadd.s32 $0x102000, s31;
	s25 =	sadd.s32 s0, s18  }
0xe: {  	s23 =	sadd.s32 s1, s8;
	s24 =	sadd.s32 $0x103000, s31;
	s22 =	sadd.s32 s0, s19  }
0xf: {  	s20 =	sadd.s32 s1, s17;
	s21 =	sadd.s32 $0x104000, s31;
	s10 =	sadd.s32 s1, s19  }
0x10: {  	s7 =	sadd.s32 s1, s4;
	s8 =	sadd.s32 $0x107000, s31;
	[dreg:$0x4] =	wrdreg s11  }
0x11: {  	s26 =	smax.u32 s3, $0x1;
	s19 =	simm.s32 $0x10000;
	[dreg:$0x5] =	wrdreg s12  }
0x12: {  	s5 =	simm.s32 $0x4;
	s3 =	simm.s32 $0x5;
	[dreg:$0x6] =	wrdreg s13  }
0x13: {  	s6 =	simm.s32 $0x6;
	[dreg:$0x7] =	wrdreg s14;
	p1 =	sne.s32 s26, $0x1  }
.Ltmp0:
0x14: {  	s17 =	simm.s32 $0x8;
	[dreg:$0x8] =	wrdreg s15;
	(pc) =	sbr.rel @!p1 .LBB2_5-.Ltmp0, $4  }
0x15: {  	[dreg:$0x9] =	wrdreg s16;
	s14 =	sadd.s32 s0, s4;
	s12 =	sadd.s32 s1, s18  }
0x16: {  	s13 =	sadd.s32 $0x105000, s31;
	s11 =	sadd.s32 $0x106000, s31;
	s16 =	simm.s32 $0x1  }
0x17: {  	s0 =	sadd.s32 $0xFFFFFFFF, s26;
	s18 =	simm.s32 $0x2;
	s4 =	simm.s32 $0x7  }
0x18: {  	s26 =	simm.s32 $0x3;
	s15 =	simm.s32 $0x9;
	s1 =	rddreg [dreg:$0x3]  }
0x19: {  	[dreg:$0xb] =	wrdreg s0  }
0x1a: {  	[tilespmem:s2], [sflag:$0x1] =	stream.linear.gather [hbm4b:s1+s2], $0x8000, $0x38;
	[tilespmem:$0x18000] =	vst v63  }
0x1b: {  	s0 =	rddreg [dreg:$0x4]  }
0x1c: {  	[tilespmem:s9], [sflag:$0x2] =	stream.linear.gather [hbm4b:s0+s2], $0x8000, $0x38;
	[tilespmem:$0x18000] =	vst v63  }
0x1d: {  	s1 =	rddreg [dreg:$0x5]  }
0x1e: {  	[tilespmem:s19], [sflag:$0x3] =	stream.linear.gather [hbm4b:s1+s2], $0x8000, $0x38;
	[tilespmem:$0x18000] =	vst v63  }
0x1f: {  	_ =	swait.ge [sflag:s16], $0x8000  }
0x20: {  	[sflag:s16] =	ssyncset.done $0x0  }
0x21: {  	[sflag:s16] =	ssyncadd.s32 $0xFFFF8000  }
0x22: {  	[hbm4b:s31+s2] =	stream.linear.scatter [tilespmem:s2], [sflag:$0x4], $0x8000, $0x38;
	[tilespmem:$0x18000] =	vst v63  }
0x23: {  	s1 =	rddreg [dreg:$0x6]  }
0x24: {  	[hbm4b:s1+s2] =	stream.linear.scatter [tilespmem:s2], [sflag:$0x5], $0x8000, $0x38;
	[tilespmem:$0x18000] =	vst v63  }
0x25: {  	_ =	swait.ge [sflag:s5], $0x8000  }
0x26: {  	[sflag:s5] =	ssyncset.done $0x0  }
0x27: {  	[sflag:s5] =	ssyncadd.s32 $0xFFFF8000  }
0x28: {  	_ =	swait.ge [sflag:s3], $0x8000  }
0x29: {  	[sflag:s3] =	ssyncset.done $0x0  }
0x2a: {  	s1 =	rddreg [dreg:$0x7];
	[sflag:s3] =	ssyncadd.s32 $0xFFFF8000  }
0x2b: {  	[tilespmem:s2], [sflag:$0x1] =	stream.linear.gather [hbm4b:s1+s2], $0x8000, $0x38;
	[tilespmem:$0x18000] =	vst v63  }
0x2c: {  	_ =	swait.ge [sflag:s18], $0x8000  }
0x2d: {  	[sflag:s18] =	ssyncset.done $0x0  }
0x2e: {  	s0 =	rddreg [dreg:$0x8];
	[sflag:s18] =	ssyncadd.s32 $0xFFFF8000  }
0x2f: {  	[hbm4b:s0+s2] =	stream.linear.scatter [tilespmem:s9], [sflag:$0x6], $0x8000, $0x38;
	[tilespmem:$0x18000] =	vst v63  }
0x30: {  	s1 =	rddreg [dreg:$0x9]  }
0x31: {  	[hbm4b:s1+s2] =	stream.linear.scatter [tilespmem:s9], [sflag:$0x7], $0x8000, $0x38;
	[tilespmem:$0x18000] =	vst v63  }
0x32: {  	_ =	swait.ge [sflag:s6], $0x8000  }
0x33: {  	[sflag:s6] =	ssyncset.done $0x0  }
0x34: {  	[sflag:s6] =	ssyncadd.s32 $0xFFFF8000  }
0x35: {  	_ =	swait.ge [sflag:s4], $0x8000  }
0x36: {  	[sflag:s4] =	ssyncset.done $0x0  }
0x37: {  	[sflag:s4] =	ssyncadd.s32 $0xFFFF8000  }
0x38: {  	[tilespmem:s9], [sflag:$0x2] =	stream.linear.gather [hbm4b:s30+s2], $0x8000, $0x38;
	[tilespmem:$0x18000] =	vst v63  }
0x39: {  	_ =	swait.ge [sflag:s26], $0x8000  }
0x3a: {  	[sflag:s26] =	ssyncset.done $0x0  }
0x3b: {  	[sflag:s26] =	ssyncadd.s32 $0xFFFF8000  }
0x3c: {  	[hbm4b:s28+s2] =	stream.linear.scatter [tilespmem:s19], [sflag:$0x8], $0x8000, $0x38;
	[tilespmem:$0x18000] =	vst v63  }
0x3d: {  	_ = 	snop  }
0x3e: {  	[hbm4b:s29+s2] =	stream.linear.scatter [tilespmem:s19], [sflag:$0x9], $0x8000, $0x38;
	[tilespmem:$0x18000] =	vst v63  }
0x3f: {  	_ =	swait.ge [sflag:s17], $0x8000  }
0x40: {  	[sflag:s17] =	ssyncset.done $0x0  }
0x41: {  	[sflag:s17] =	ssyncadd.s32 $0xFFFF8000  }
0x42: {  	_ =	swait.ge [sflag:s15], $0x8000  }
0x43: {  	[sflag:s15] =	ssyncset.done $0x0  }
0x44: {  	[sflag:s15] =	ssyncadd.s32 $0xFFFF8000  }
0x45: {  	[tilespmem:s19], [sflag:$0x3] =	stream.linear.gather [hbm4b:s25+s2], $0x8000, $0x38;
	[tilespmem:$0x18000] =	vst v63  }
0x46: {  	_ =	swait.ge [sflag:s16], $0x8000  }
0x47: {  	[sflag:s16] =	ssyncset.done $0x0  }
0x48: {  	[sflag:s16] =	ssyncadd.s32 $0xFFFF8000  }
0x49: {  	[hbm4b:s23+s2] =	stream.linear.scatter [tilespmem:s2], [sflag:$0x4], $0x8000, $0x38;
	[tilespmem:$0x18000] =	vst v63  }
0x4a: {  	_ = 	snop  }
0x4b: {  	[hbm4b:s24+s2] =	stream.linear.scatter [tilespmem:s2], [sflag:$0x5], $0x8000, $0x38;
	[tilespmem:$0x18000] =	vst v63  }
0x4c: {  	_ =	swait.ge [sflag:s5], $0x8000  }
0x4d: {  	[sflag:s5] =	ssyncset.done $0x0  }
0x4e: {  	[sflag:s5] =	ssyncadd.s32 $0xFFFF8000  }
0x4f: {  	_ =	swait.ge [sflag:s3], $0x8000  }
0x50: {  	[sflag:s3] =	ssyncset.done $0x0  }
0x51: {  	[sflag:s3] =	ssyncadd.s32 $0xFFFF8000  }
0x52: {  	[tilespmem:s2], [sflag:$0x1] =	stream.linear.gather [hbm4b:s22+s2], $0x8000, $0x38;
	[tilespmem:$0x18000] =	vst v63  }
0x53: {  	_ =	swait.ge [sflag:s18], $0x8000  }
0x54: {  	[sflag:s18] =	ssyncset.done $0x0  }
0x55: {  	[sflag:s18] =	ssyncadd.s32 $0xFFFF8000  }
0x56: {  	[hbm4b:s20+s2] =	stream.linear.scatter [tilespmem:s9], [sflag:$0x6], $0x8000, $0x38;
	[tilespmem:$0x18000] =	vst v63  }
0x57: {  	_ = 	snop  }
0x58: {  	[hbm4b:s21+s2] =	stream.linear.scatter [tilespmem:s9], [sflag:$0x7], $0x8000, $0x38;
	[tilespmem:$0x18000] =	vst v63  }
0x59: {  	_ =	swait.ge [sflag:s6], $0x8000  }
0x5a: {  	[sflag:s6] =	ssyncset.done $0x0  }
0x5b: {  	[sflag:s6] =	ssyncadd.s32 $0xFFFF8000  }
0x5c: {  	_ =	swait.ge [sflag:s4], $0x8000  }
0x5d: {  	[sflag:s4] =	ssyncset.done $0x0  }
0x5e: {  	[sflag:s4] =	ssyncadd.s32 $0xFFFF8000  }
0x5f: {  	[tilespmem:s9], [sflag:$0x2] =	stream.linear.gather [hbm4b:s14+s2], $0x8000, $0x38;
	[tilespmem:$0x18000] =	vst v63  }
0x60: {  	_ =	swait.ge [sflag:s26], $0x8000  }
0x61: {  	[sflag:s26] =	ssyncset.done $0x0  }
0x62: {  	[sflag:s26] =	ssyncadd.s32 $0xFFFF8000  }
0x63: {  	[hbm4b:s12+s2] =	stream.linear.scatter [tilespmem:s19], [sflag:$0x8], $0x8000, $0x38;
	[tilespmem:$0x18000] =	vst v63  }
0x64: {  	_ = 	snop  }
0x65: {  	[hbm4b:s13+s2] =	stream.linear.scatter [tilespmem:s19], [sflag:$0x9], $0x8000, $0x38;
	[tilespmem:$0x18000] =	vst v63  }
0x66: {  	_ =	swait.ge [sflag:s16], $0x8000  }
0x67: {  	[sflag:s16] =	ssyncset.done $0x0  }
0x68: {  	[sflag:s16] =	ssyncadd.s32 $0xFFFF8000  }
0x69: {  	[hbm4b:s10+s2] =	stream.linear.scatter [tilespmem:s2], [sflag:$0x4], $0x8000, $0x38;
	[tilespmem:$0x18000] =	vst v63  }
0x6a: {  	_ = 	snop  }
0x6b: {  	[hbm4b:s11+s2] =	stream.linear.scatter [tilespmem:s2], [sflag:$0x5], $0x8000, $0x38;
	[tilespmem:$0x18000] =	vst v63  }
0x6c: {  	_ =	swait.ge [sflag:s18], $0x8000  }
0x6d: {  	[sflag:s18] =	ssyncset.done $0x0  }
0x6e: {  	[sflag:s18] =	ssyncadd.s32 $0xFFFF8000  }
0x6f: {  	[hbm4b:s7+s2] =	stream.linear.scatter [tilespmem:s9], [sflag:$0x6], $0x8000, $0x38;
	[tilespmem:$0x18000] =	vst v63  }
0x70: {  	_ = 	snop  }
0x71: {  	[hbm4b:s8+s2] =	stream.linear.scatter [tilespmem:s9], [sflag:$0x7], $0x8000, $0x38;
	[tilespmem:$0x18000] =	vst v63  }
0x72: {  	_ =	swait.ge [sflag:s17], $0x8000  }
0x73: {  	[sflag:s17] =	ssyncset.done $0x0  }
0x74: {  	[sflag:s17] =	ssyncadd.s32 $0xFFFF8000  }
0x75: {  	_ =	swait.ge [sflag:s15], $0x8000  }
0x76: {  	[sflag:s15] =	ssyncset.done $0x0  }
0x77: {  	[sflag:s15] =	ssyncadd.s32 $0xFFFF8000  }
0x78: {  	_ =	swait.ge [sflag:s5], $0x8000  }
0x79: {  	[sflag:s5] =	ssyncset.done $0x0  }
0x7a: {  	[sflag:s5] =	ssyncadd.s32 $0xFFFF8000  }
0x7b: {  	_ =	swait.ge [sflag:s3], $0x8000  }
0x7c: {  	[sflag:s3] =	ssyncset.done $0x0  }
0x7d: {  	[sflag:s3] =	ssyncadd.s32 $0xFFFF8000  }
0x7e: {  	_ =	swait.ge [sflag:s6], $0x8000  }
0x7f: {  	s1 =	rddreg [dreg:$0xb]  }
0x80: {  	p1 =	sne.s32 s1, $0x1  }
.Ltmp1:
0x81: {  	_ = 	snop;
	(pc) =	sbr.rel @!p1 .LBB2_2-.Ltmp1, $4  }
0x82: {  	[sflag:s6] =	ssyncset.done $0x0  }
0x83: {  	[sflag:s6] =	ssyncadd.s32 $0xFFFF8000  }
0x84: {  	p0 =	por $0x1, $0x1;
	_ =	swait.ge [sflag:s4], $0x8000;
	[dreg:$0xa] =	wrdreg s31  }
0x85: {  	s0 =	sadd.s32 $0xFFFFFFFF, s1;
	s1 =	rddreg [dreg:$0x3];
	[sflag:s4] =	ssyncset.done $0x0  }
.LBB2_3:
0x86: {  	[sflag:s4] =	ssyncadd.s32 $0xFFFF8000;
	s31 =	smov.u32 s30;
	s30 =	smov.u32 s29  }
0x87: {  	s29 =	smov.u32 s28;
	s28 =	smov.u32 s25;
	s25 =	smov.u32 s24  }
0x88: {  	s24 =	smov.u32 s23;
	s23 =	smov.u32 s22;
	s22 =	smov.u32 s21  }
0x89: {  	s21 =	smov.u32 s20;
	s20 =	smov.u32 s14;
	s14 =	smov.u32 s13  }
0x8a: {  	s13 =	smov.u32 s12;
	s12 =	smov.u32 s11;
	s11 =	smov.u32 s10  }
0x8b: {  	[tilespmem:s2], [sflag:$0x1] =	stream.linear.gather [hbm4b:s1+s2], $0x8000, $0x38;
	[tilespmem:$0x18000] =	vst v63  }
0x8c: {  	s10 =	smov.u32 s8;
	s8 =	smov.u32 s7;
	s7 =	rddreg [dreg:$0x4]  }
0x8d: {  	[tilespmem:s9], [sflag:$0x2] =	stream.linear.gather [hbm4b:s7+s2], $0x8000, $0x38;
	[tilespmem:$0x18000] =	vst v63  }
0x8e: {  	s1 =	rddreg [dreg:$0x5]  }
0x8f: {  	[tilespmem:s19], [sflag:$0x3] =	stream.linear.gather [hbm4b:s1+s2], $0x8000, $0x38;
	[tilespmem:$0x18000] =	vst v63  }
0x90: {  	_ =	swait.ge [sflag:s16], $0x8000  }
0x91: {  	[sflag:s16] =	ssyncset.done $0x0  }
0x92: {  	s7 =	rddreg [dreg:$0xa];
	[sflag:s16] =	ssyncadd.s32 $0xFFFF8000  }
0x93: {  	[hbm4b:s7+s2] =	stream.linear.scatter [tilespmem:s2], [sflag:$0x4], $0x8000, $0x38;
	[tilespmem:$0x18000] =	vst v63  }
0x94: {  	s1 =	rddreg [dreg:$0x6]  }
0x95: {  	[hbm4b:s1+s2] =	stream.linear.scatter [tilespmem:s2], [sflag:$0x5], $0x8000, $0x38;
	[tilespmem:$0x18000] =	vst v63  }
0x96: {  	_ =	swait.ge [sflag:s5], $0x8000  }
0x97: {  	[sflag:s5] =	ssyncset.done $0x0  }
0x98: {  	[sflag:s5] =	ssyncadd.s32 $0xFFFF8000  }
0x99: {  	_ =	swait.ge [sflag:s3], $0x8000  }
0x9a: {  	[sflag:s3] =	ssyncset.done $0x0  }
0x9b: {  	s7 =	rddreg [dreg:$0x7];
	[sflag:s3] =	ssyncadd.s32 $0xFFFF8000  }
0x9c: {  	[tilespmem:s2], [sflag:$0x1] =	stream.linear.gather [hbm4b:s7+s2], $0x8000, $0x38;
	[tilespmem:$0x18000] =	vst v63  }
0x9d: {  	_ =	swait.ge [sflag:s18], $0x8000  }
0x9e: {  	[sflag:s18] =	ssyncset.done $0x0  }
0x9f: {  	s1 =	rddreg [dreg:$0x8];
	[sflag:s18] =	ssyncadd.s32 $0xFFFF8000  }
0xa0: {  	[hbm4b:s1+s2] =	stream.linear.scatter [tilespmem:s9], [sflag:$0x6], $0x8000, $0x38;
	[tilespmem:$0x18000] =	vst v63  }
0xa1: {  	s7 =	rddreg [dreg:$0x9]  }
0xa2: {  	[hbm4b:s7+s2] =	stream.linear.scatter [tilespmem:s9], [sflag:$0x7], $0x8000, $0x38;
	[tilespmem:$0x18000] =	vst v63  }
0xa3: {  	_ =	swait.ge [sflag:s6], $0x8000  }
0xa4: {  	[sflag:s6] =	ssyncset.done $0x0  }
0xa5: {  	s7 =	smov.u32 s8;
	s8 =	smov.u32 s10;
	[sflag:s6] =	ssyncadd.s32 $0xFFFF8000  }
0xa6: {  	s10 =	smov.u32 s11;
	s11 =	smov.u32 s12;
	_ =	swait.ge [sflag:s4], $0x8000  }
0xa7: {  	s12 =	smov.u32 s13;
	s13 =	smov.u32 s14;
	[sflag:s4] =	ssyncset.done $0x0  }
0xa8: {  	s14 =	smov.u32 s20;
	s20 =	smov.u32 s21;
	[sflag:s4] =	ssyncadd.s32 $0xFFFF8000  }
0xa9: {  	[tilespmem:s9], [sflag:$0x2] =	stream.linear.gather [hbm4b:s31+s2], $0x8000, $0x38;
	[tilespmem:$0x18000] =	vst v63  }
0xaa: {  	s21 =	smov.u32 s22;
	s22 =	smov.u32 s23;
	_ =	swait.ge [sflag:s26], $0x8000  }
0xab: {  	s23 =	smov.u32 s24;
	s24 =	smov.u32 s25;
	[sflag:s26] =	ssyncset.done $0x0  }
0xac: {  	s25 =	smov.u32 s28;
	s28 =	smov.u32 s29;
	[sflag:s26] =	ssyncadd.s32 $0xFFFF8000  }
0xad: {  	[hbm4b:s28+s2] =	stream.linear.scatter [tilespmem:s19], [sflag:$0x8], $0x8000, $0x38;
	[tilespmem:$0x18000] =	vst v63  }
0xae: {  	s29 =	smov.u32 s30  }
0xaf: {  	[hbm4b:s29+s2] =	stream.linear.scatter [tilespmem:s19], [sflag:$0x9], $0x8000, $0x38;
	[tilespmem:$0x18000] =	vst v63  }
0xb0: {  	_ =	swait.ge [sflag:s17], $0x8000  }
0xb1: {  	[sflag:s17] =	ssyncset.done $0x0  }
0xb2: {  	[sflag:s17] =	ssyncadd.s32 $0xFFFF8000  }
0xb3: {  	_ =	swait.ge [sflag:s15], $0x8000  }
0xb4: {  	[sflag:s15] =	ssyncset.done $0x0  }
0xb5: {  	[sflag:s15] =	ssyncadd.s32 $0xFFFF8000  }
0xb6: {  	[tilespmem:s19], [sflag:$0x3] =	stream.linear.gather [hbm4b:s25+s2], $0x8000, $0x38;
	[tilespmem:$0x18000] =	vst v63  }
0xb7: {  	_ =	swait.ge [sflag:s16], $0x8000  }
0xb8: {  	[sflag:s16] =	ssyncset.done $0x0  }
0xb9: {  	[sflag:s16] =	ssyncadd.s32 $0xFFFF8000  }
0xba: {  	[hbm4b:s23+s2] =	stream.linear.scatter [tilespmem:s2], [sflag:$0x4], $0x8000, $0x38;
	[tilespmem:$0x18000] =	vst v63  }
0xbb: {  	_ = 	snop  }
0xbc: {  	[hbm4b:s24+s2] =	stream.linear.scatter [tilespmem:s2], [sflag:$0x5], $0x8000, $0x38;
	[tilespmem:$0x18000] =	vst v63  }
0xbd: {  	_ =	swait.ge [sflag:s5], $0x8000  }
0xbe: {  	[sflag:s5] =	ssyncset.done $0x0  }
0xbf: {  	[sflag:s5] =	ssyncadd.s32 $0xFFFF8000  }
0xc0: {  	_ =	swait.ge [sflag:s3], $0x8000  }
0xc1: {  	[sflag:s3] =	ssyncset.done $0x0  }
0xc2: {  	[sflag:s3] =	ssyncadd.s32 $0xFFFF8000  }
0xc3: {  	[tilespmem:s2], [sflag:$0x1] =	stream.linear.gather [hbm4b:s22+s2], $0x8000, $0x38;
	[tilespmem:$0x18000] =	vst v63  }
0xc4: {  	_ =	swait.ge [sflag:s18], $0x8000  }
0xc5: {  	[sflag:s18] =	ssyncset.done $0x0  }
0xc6: {  	[sflag:s18] =	ssyncadd.s32 $0xFFFF8000  }
0xc7: {  	[hbm4b:s20+s2] =	stream.linear.scatter [tilespmem:s9], [sflag:$0x6], $0x8000, $0x38;
	[tilespmem:$0x18000] =	vst v63  }
0xc8: {  	_ = 	snop  }
0xc9: {  	[hbm4b:s21+s2] =	stream.linear.scatter [tilespmem:s9], [sflag:$0x7], $0x8000, $0x38;
	[tilespmem:$0x18000] =	vst v63  }
0xca: {  	_ =	swait.ge [sflag:s6], $0x8000  }
0xcb: {  	[sflag:s6] =	ssyncset.done $0x0  }
0xcc: {  	[sflag:s6] =	ssyncadd.s32 $0xFFFF8000  }
0xcd: {  	_ =	swait.ge [sflag:s4], $0x8000  }
0xce: {  	[sflag:s4] =	ssyncset.done $0x0  }
0xcf: {  	[sflag:s4] =	ssyncadd.s32 $0xFFFF8000  }
0xd0: {  	[tilespmem:s9], [sflag:$0x2] =	stream.linear.gather [hbm4b:s14+s2], $0x8000, $0x38;
	[tilespmem:$0x18000] =	vst v63  }
0xd1: {  	_ =	swait.ge [sflag:s26], $0x8000  }
0xd2: {  	[sflag:s26] =	ssyncset.done $0x0  }
0xd3: {  	[sflag:s26] =	ssyncadd.s32 $0xFFFF8000  }
0xd4: {  	[hbm4b:s12+s2] =	stream.linear.scatter [tilespmem:s19], [sflag:$0x8], $0x8000, $0x38;
	[tilespmem:$0x18000] =	vst v63  }
0xd5: {  	_ = 	snop  }
0xd6: {  	[hbm4b:s13+s2] =	stream.linear.scatter [tilespmem:s19], [sflag:$0x9], $0x8000, $0x38;
	[tilespmem:$0x18000] =	vst v63  }
0xd7: {  	_ =	swait.ge [sflag:s16], $0x8000  }
0xd8: {  	[sflag:s16] =	ssyncset.done $0x0  }
0xd9: {  	[sflag:s16] =	ssyncadd.s32 $0xFFFF8000  }
0xda: {  	[hbm4b:s10+s2] =	stream.linear.scatter [tilespmem:s2], [sflag:$0x4], $0x8000, $0x38;
	[tilespmem:$0x18000] =	vst v63  }
0xdb: {  	_ = 	snop  }
0xdc: {  	[hbm4b:s11+s2] =	stream.linear.scatter [tilespmem:s2], [sflag:$0x5], $0x8000, $0x38;
	[tilespmem:$0x18000] =	vst v63  }
0xdd: {  	_ =	swait.ge [sflag:s18], $0x8000  }
0xde: {  	[sflag:s18] =	ssyncset.done $0x0  }
0xdf: {  	[sflag:s18] =	ssyncadd.s32 $0xFFFF8000  }
0xe0: {  	[hbm4b:s7+s2] =	stream.linear.scatter [tilespmem:s9], [sflag:$0x6], $0x8000, $0x38;
	[tilespmem:$0x18000] =	vst v63  }
0xe1: {  	_ = 	snop  }
0xe2: {  	[hbm4b:s8+s2] =	stream.linear.scatter [tilespmem:s9], [sflag:$0x7], $0x8000, $0x38;
	[tilespmem:$0x18000] =	vst v63  }
0xe3: {  	_ =	swait.ge [sflag:s17], $0x8000  }
0xe4: {  	[sflag:s17] =	ssyncset.done $0x0  }
0xe5: {  	[sflag:s17] =	ssyncadd.s32 $0xFFFF8000  }
0xe6: {  	_ =	swait.ge [sflag:s15], $0x8000  }
0xe7: {  	[sflag:s15] =	ssyncset.done $0x0  }
0xe8: {  	[sflag:s15] =	ssyncadd.s32 $0xFFFF8000  }
0xe9: {  	_ =	swait.ge [sflag:s5], $0x8000  }
0xea: {  	[sflag:s5] =	ssyncset.done $0x0  }
0xeb: {  	[sflag:s5] =	ssyncadd.s32 $0xFFFF8000  }
0xec: {  	_ =	swait.ge [sflag:s3], $0x8000  }
0xed: {  	[sflag:s3] =	ssyncset.done $0x0  }
0xee: {  	p1 =	sne.s32 s0, $0x1;
	[sflag:s3] =	ssyncadd.s32 $0xFFFF8000  }
.Ltmp2:
0xef: {  	_ =	swait.ge [sflag:s6], $0x8000;
	(pc) =	sbr.rel @p1 .LBB2_3-.Ltmp2, $4  }
0xf0: {  	[sflag:s6] =	ssyncset.done $0x0  }
0xf1: {  	[sflag:s6] =	ssyncadd.s32 $0xFFFF8000  }
0xf2: {  	s0 =	sadd.s32 $0xFFFFFFFF, s0;
	_ =	swait.ge [sflag:s4], $0x8000  }
0xf3: {  	s30 =	smov.u32 s31;
	s1 =	rddreg [dreg:$0x3];
	[sflag:s4] =	ssyncset.done $0x0  }
0xf4: {  	s31 =	rddreg [dreg:$0xa]  }
.LBB2_5:
0xf5: {  	[sflag:s4] =	ssyncadd.s32 @p0 $0xFFFF8000  }
0xf6: {  	[tilespmem:s2], [sflag:$0x1] =	stream.linear.gather [hbm4b:s1+s2], $0x8000, $0x38;
	[tilespmem:$0x18000] =	vst v63  }
0xf7: {  	s0 =	rddreg [dreg:$0x4]  }
0xf8: {  	[tilespmem:s9], [sflag:$0x2] =	stream.linear.gather [hbm4b:s0+s2], $0x8000, $0x38;
	[tilespmem:$0x18000] =	vst v63  }
0xf9: {  	s1 =	rddreg [dreg:$0x5]  }
0xfa: {  	[tilespmem:s19], [sflag:$0x3] =	stream.linear.gather [hbm4b:s1+s2], $0x8000, $0x38;
	[tilespmem:$0x18000] =	vst v63  }
0xfb: {  	_ =	swait.ge [sflag:s16], $0x8000  }
0xfc: {  	[sflag:s16] =	ssyncset.done $0x0  }
0xfd: {  	[sflag:s16] =	ssyncadd.s32 $0xFFFF8000  }
0xfe: {  	[hbm4b:s31+s2] =	stream.linear.scatter [tilespmem:s2], [sflag:$0x4], $0x8000, $0x38;
	[tilespmem:$0x18000] =	vst v63  }
0xff: {  	s1 =	rddreg [dreg:$0x6]  }
0x100: {  	[hbm4b:s1+s2] =	stream.linear.scatter [tilespmem:s2], [sflag:$0x5], $0x8000, $0x38;
	[tilespmem:$0x18000] =	vst v63  }
0x101: {  	_ =	swait.ge [sflag:s5], $0x8000  }
0x102: {  	[sflag:s5] =	ssyncset.done $0x0  }
0x103: {  	[sflag:s5] =	ssyncadd.s32 $0xFFFF8000  }
0x104: {  	_ =	swait.ge [sflag:s3], $0x8000  }
0x105: {  	[sflag:s3] =	ssyncset.done $0x0  }
0x106: {  	s31 =	rddreg [dreg:$0x7];
	[sflag:s3] =	ssyncadd.s32 $0xFFFF8000  }
0x107: {  	[tilespmem:s2], [sflag:$0x1] =	stream.linear.gather [hbm4b:s31+s2], $0x8000, $0x38;
	[tilespmem:$0x18000] =	vst v63  }
0x108: {  	_ =	swait.ge [sflag:s18], $0x8000  }
0x109: {  	[sflag:s18] =	ssyncset.done $0x0  }
0x10a: {  	s1 =	rddreg [dreg:$0x8];
	[sflag:s18] =	ssyncadd.s32 $0xFFFF8000  }
0x10b: {  	[hbm4b:s1+s2] =	stream.linear.scatter [tilespmem:s9], [sflag:$0x6], $0x8000, $0x38;
	[tilespmem:$0x18000] =	vst v63  }
0x10c: {  	s31 =	rddreg [dreg:$0x9]  }
0x10d: {  	[hbm4b:s31+s2] =	stream.linear.scatter [tilespmem:s9], [sflag:$0x7], $0x8000, $0x38;
	[tilespmem:$0x18000] =	vst v63  }
0x10e: {  	_ =	swait.ge [sflag:s6], $0x8000  }
0x10f: {  	[sflag:s6] =	ssyncset.done $0x0  }
0x110: {  	[sflag:s6] =	ssyncadd.s32 $0xFFFF8000  }
0x111: {  	_ =	swait.ge [sflag:s4], $0x8000  }
0x112: {  	[sflag:s4] =	ssyncset.done $0x0  }
0x113: {  	[sflag:s4] =	ssyncadd.s32 $0xFFFF8000  }
0x114: {  	[tilespmem:s9], [sflag:$0x2] =	stream.linear.gather [hbm4b:s30+s2], $0x8000, $0x38;
	[tilespmem:$0x18000] =	vst v63  }
0x115: {  	_ =	swait.ge [sflag:s26], $0x8000  }
0x116: {  	[sflag:s26] =	ssyncset.done $0x0  }
0x117: {  	[sflag:s26] =	ssyncadd.s32 $0xFFFF8000  }
0x118: {  	[hbm4b:s28+s2] =	stream.linear.scatter [tilespmem:s19], [sflag:$0x8], $0x8000, $0x38;
	[tilespmem:$0x18000] =	vst v63  }
0x119: {  	_ = 	snop  }
0x11a: {  	[hbm4b:s29+s2] =	stream.linear.scatter [tilespmem:s19], [sflag:$0x9], $0x8000, $0x38;
	[tilespmem:$0x18000] =	vst v63  }
0x11b: {  	_ =	swait.ge [sflag:s17], $0x8000  }
0x11c: {  	[sflag:s17] =	ssyncset.done $0x0  }
0x11d: {  	[sflag:s17] =	ssyncadd.s32 $0xFFFF8000  }
0x11e: {  	_ =	swait.ge [sflag:s15], $0x8000  }
0x11f: {  	[sflag:s15] =	ssyncset.done $0x0  }
0x120: {  	[sflag:s15] =	ssyncadd.s32 $0xFFFF8000  }
0x121: {  	[tilespmem:s19], [sflag:$0x3] =	stream.linear.gather [hbm4b:s25+s2], $0x8000, $0x38;
	[tilespmem:$0x18000] =	vst v63  }
0x122: {  	_ =	swait.ge [sflag:s16], $0x8000  }
0x123: {  	[sflag:s16] =	ssyncset.done $0x0  }
0x124: {  	[sflag:s16] =	ssyncadd.s32 $0xFFFF8000  }
0x125: {  	[hbm4b:s23+s2] =	stream.linear.scatter [tilespmem:s2], [sflag:$0x4], $0x8000, $0x38;
	[tilespmem:$0x18000] =	vst v63  }
0x126: {  	_ = 	snop  }
0x127: {  	[hbm4b:s24+s2] =	stream.linear.scatter [tilespmem:s2], [sflag:$0x5], $0x8000, $0x38;
	[tilespmem:$0x18000] =	vst v63  }
0x128: {  	_ =	swait.ge [sflag:s5], $0x8000  }
0x129: {  	[sflag:s5] =	ssyncset.done $0x0  }
0x12a: {  	[sflag:s5] =	ssyncadd.s32 $0xFFFF8000  }
0x12b: {  	_ =	swait.ge [sflag:s3], $0x8000  }
0x12c: {  	[sflag:s3] =	ssyncset.done $0x0  }
0x12d: {  	[sflag:s3] =	ssyncadd.s32 $0xFFFF8000  }
0x12e: {  	[tilespmem:s2], [sflag:$0x1] =	stream.linear.gather [hbm4b:s22+s2], $0x8000, $0x38;
	[tilespmem:$0x18000] =	vst v63  }
0x12f: {  	_ =	swait.ge [sflag:s18], $0x8000  }
0x130: {  	[sflag:s18] =	ssyncset.done $0x0  }
0x131: {  	[sflag:s18] =	ssyncadd.s32 $0xFFFF8000  }
0x132: {  	[hbm4b:s20+s2] =	stream.linear.scatter [tilespmem:s9], [sflag:$0x6], $0x8000, $0x38;
	[tilespmem:$0x18000] =	vst v63  }
0x133: {  	_ = 	snop  }
0x134: {  	[hbm4b:s21+s2] =	stream.linear.scatter [tilespmem:s9], [sflag:$0x7], $0x8000, $0x38;
	[tilespmem:$0x18000] =	vst v63  }
0x135: {  	_ =	swait.ge [sflag:s6], $0x8000  }
0x136: {  	[sflag:s6] =	ssyncset.done $0x0  }
0x137: {  	[sflag:s6] =	ssyncadd.s32 $0xFFFF8000  }
0x138: {  	_ =	swait.ge [sflag:s4], $0x8000  }
0x139: {  	[sflag:s4] =	ssyncset.done $0x0  }
0x13a: {  	[sflag:s4] =	ssyncadd.s32 $0xFFFF8000  }
0x13b: {  	[tilespmem:s9], [sflag:$0x2] =	stream.linear.gather [hbm4b:s14+s2], $0x8000, $0x38;
	[tilespmem:$0x18000] =	vst v63  }
0x13c: {  	_ =	swait.ge [sflag:s26], $0x8000  }
0x13d: {  	[sflag:s26] =	ssyncset.done $0x0  }
0x13e: {  	[sflag:s26] =	ssyncadd.s32 $0xFFFF8000  }
0x13f: {  	[hbm4b:s12+s2] =	stream.linear.scatter [tilespmem:s19], [sflag:$0x8], $0x8000, $0x38;
	[tilespmem:$0x18000] =	vst v63  }
0x140: {  	_ = 	snop  }
0x141: {  	[hbm4b:s13+s2] =	stream.linear.scatter [tilespmem:s19], [sflag:$0x9], $0x8000, $0x38;
	[tilespmem:$0x18000] =	vst v63  }
0x142: {  	_ =	swait.ge [sflag:s16], $0x8000  }
0x143: {  	[sflag:s16] =	ssyncset.done $0x0  }
0x144: {  	[sflag:s16] =	ssyncadd.s32 $0xFFFF8000  }
0x145: {  	[hbm4b:s10+s2] =	stream.linear.scatter [tilespmem:s2], [sflag:$0x4], $0x8000, $0x38;
	[tilespmem:$0x18000] =	vst v63  }
0x146: {  	_ = 	snop  }
0x147: {  	[hbm4b:s11+s2] =	stream.linear.scatter [tilespmem:s2], [sflag:$0x5], $0x8000, $0x38;
	[tilespmem:$0x18000] =	vst v63  }
0x148: {  	_ =	swait.ge [sflag:s18], $0x8000  }
0x149: {  	[sflag:s18] =	ssyncset.done $0x0  }
0x14a: {  	[sflag:s18] =	ssyncadd.s32 $0xFFFF8000  }
0x14b: {  	[hbm4b:s7+s2] =	stream.linear.scatter [tilespmem:s9], [sflag:$0x6], $0x8000, $0x38;
	[tilespmem:$0x18000] =	vst v63  }
0x14c: {  	_ = 	snop  }
0x14d: {  	[hbm4b:s8+s2] =	stream.linear.scatter [tilespmem:s9], [sflag:$0x7], $0x8000, $0x38;
	[tilespmem:$0x18000] =	vst v63  }
0x14e: {  	_ =	swait.ge [sflag:s17], $0x8000  }
0x14f: {  	[sflag:s17] =	ssyncset.done $0x0  }
0x150: {  	[sflag:s17] =	ssyncadd.s32 $0xFFFF8000  }
0x151: {  	_ =	swait.ge [sflag:s15], $0x8000  }
0x152: {  	[sflag:s15] =	ssyncset.done $0x0  }
0x153: {  	[sflag:s15] =	ssyncadd.s32 $0xFFFF8000  }
0x154: {  	_ =	swait.ge [sflag:s5], $0x8000  }
0x155: {  	[sflag:s5] =	ssyncset.done $0x0  }
0x156: {  	[sflag:s5] =	ssyncadd.s32 $0xFFFF8000  }
0x157: {  	_ =	swait.ge [sflag:s3], $0x8000  }
0x158: {  	[sflag:s3] =	ssyncset.done $0x0  }
0x159: {  	[sflag:s3] =	ssyncadd.s32 $0xFFFF8000  }
0x15a: {  	_ =	swait.ge [sflag:s6], $0x8000  }
0x15b: {  	[sflag:s6] =	ssyncset.done $0x0  }
0x15c: {  	[sflag:s6] =	ssyncadd.s32 $0xFFFF8000  }
0x15d: {  	_ =	swait.ge [sflag:s4], $0x8000  }
0x15e: {  	[sflag:s4] =	ssyncset.done $0x0  }
0x15f: {  	[sflag:s4] =	ssyncadd.s32 $0xFFFF8000  }
0x160: {  	_ =	sfence.sel $0x180000  }
0x161: {  	[bflag:$0x0] =	sbarrier.arrive $0xFFFF  }
0x162: {  	_ =	strace $0x90000047  }
0x163: {  	s31 =	stileid.u32;
	[bflag:$0x2] =	sbarrier.arrive $0xFFFF  }
0x164: {  	p0 =	sne.s32 s31, $0x0;
	s0 =	rddreg [dreg:$0x2]  }
0x165: {  	s0 =	sadd.s32 @!p0 $0x100000, s0  }
0x166: {  	[sflag:s0] =	ssyncadd.tile.s32 @!p0 $0x1;
	_ =	shalt  }
.LBB2_2:
.Ltmp3:
0x167: {  	(pc) =	sbr.rel .LBB2_5-.Ltmp3, $2  }
0x168: {  	_ =	sdelay $0x2  }
0x169: {  	s31 =	rddreg [dreg:$0xa]  }
.Lfunc_end2:
_tile_overlayer_lowered:
.L_overlay_start_2:
0x16a: {  	(tag) =	ssettag $0x2  }
0x16b: {  	s0 =	rddreg [dreg:$0x0];
	s2 =	stileid.u32  }
0x16c: {  	s1 =	rddreg [dreg:$0x1];
	p0 =	sne.s32 s2, $0x0  }
0x16d: {  	s3 =	rddreg [dreg:$0x2];
	[bflag:$0x3] =	sbarrier.arrive $0xFFFF;
	s2 =	simm.s32 @!p0 $0x1C0A  }
0x16e: {  	[timem:s3], [sflag:s2] =	dma.local @!p0 [hbm:s0], s1  }
0x16f: {  	s0 =	simm.s32 @!p0 $0xA  }
0x170: {  	_ =	swait.ge @!p0 [sflag:s0], s1  }
0x171: {  	s1 =	ssub.s32 @!p0 $0x0, s1;
	[sflag:s0] =	ssyncset.done @!p0 $0x0  }
0x172: {  	[sflag:s0] =	ssyncadd.s32 @!p0 s1  }
0x173: {  	[bflag:$0x3] =	sbarrier.arrive $0xFFFF  }
0x174: {  	_ =	shalt  }

</sc_bundles>
